<compile_context>
chip_gen: v7x
topology: tpu7x:2x2x1
jax: 0.10.2.dev20260603
libtpu: 0.0.44.dev20260713+nightly
codegen_flags: <defaults>
</compile_context>

<pallas_src>
import functools

import jax
import jax.numpy as jnp
from jax import lax
from jax.experimental import pallas as pl
from jax.experimental.pallas import tpu as pltpu
from jax.experimental.pallas import tpu_sc as plsc

NC = 2
NS = 16
NW = NC * NS
C = 80
L = 16


def _sc_aggregate(node_inputs, edge_inputs, idx_fused):
    N, D = node_inputs.shape
    E = edge_inputs.shape[0]
    assert E % C == 0
    num_chunks = E // C
    cpw = num_chunks // NW
    chunk_rem = num_chunks % NW
    nmax = cpw + (1 if chunk_rem else 0)
    rows_per_tile = (N // NS) // 8 * 8
    extra = N - rows_per_tile * NS
    assert extra <= C
    mesh = plsc.VectorSubcoreMesh(core_axis_name="c", subcore_axis_name="s")

    @functools.partial(
        pl.kernel,
        out_type=jax.ShapeDtypeStruct((NC, N, D), jnp.float32),
        mesh=mesh,
        scratch_types=[
            pltpu.VMEM_SHARED((N, D), jnp.float32),
            pltpu.VMEM((4 * C,), jnp.int32),
            pltpu.VMEM((2, C), jnp.int32),
            pltpu.VMEM((2, C, D), jnp.float32),
            pltpu.VMEM((2, C, D), jnp.float32),
            pltpu.SemaphoreType.DMA((2,)),
            pltpu.SemaphoreType.DMA((2,)),
            pltpu.SemaphoreType.DMA((2,)),
            pltpu.SemaphoreType.DMA((2,)),
        ],
    )
    def k(node_hbm, edge_hbm, idx_hbm, out_hbm, acc_sh, idx_r,
          dst_cc, gath2, edge2, gsem, esem, isem, ssem):
        core = lax.axis_index("c")
        tid = lax.axis_index("s")
        wid = core * NS + tid

        start = wid * cpw + jnp.minimum(wid, chunk_rem)
        count = cpw + (jnp.where(wid < chunk_rem, 1, 0) if chunk_rem else 0)

        zbuf = gath2.at[0]

        @pl.loop(0, C)
        def _(r):
            for j in range(D // L):
                zbuf[r, pl.ds(j * L, L)] = jnp.zeros((L,), jnp.float32)

        row0 = tid * rows_per_tile
        full, tail = divmod(rows_per_tile, C)
        for kk in range(full):
            pltpu.sync_copy(zbuf, acc_sh.at[pl.ds(row0 + kk * C, C)])
        if tail:
            pltpu.sync_copy(zbuf.at[pl.ds(0, tail)],
                            acc_sh.at[pl.ds(row0 + full * C, tail)])
        if extra:
            @pl.when(tid == NS - 1)
            def _():
                pltpu.sync_copy(zbuf.at[pl.ds(0, extra)],
                                acc_sh.at[pl.ds(N - extra, extra)])
        plsc.subcore_barrier()

        def idx_copies(j, b):
            return (
                pltpu.make_async_copy(
                    idx_hbm.at[pl.ds((start + j) * 2 * C, 2 * C)],
                    idx_r.at[pl.ds(b * 2 * C, 2 * C)], isem.at[b]),
            )

        def gather_copy(b):
            return pltpu.make_async_copy(
                node_hbm.at[idx_r.at[pl.ds(b * 2 * C, C)]], gath2.at[b],
                gsem.at[b])

        def edge_copy(j, b):
            return pltpu.make_async_copy(
                edge_hbm.at[pl.ds((start + j) * C, C)], edge2.at[b],
                esem.at[b])

        def scatter_copy(b):
            return pltpu.make_async_copy(
                gath2.at[b], acc_sh.at[dst_cc.at[b]], ssem.at[b])

        for cp in idx_copies(0, 0):
            cp.start()

        @pl.loop(0, nmax + 1)
        def _(jj):
            j = jj - 1
            b1 = j % 2

            @pl.when(jnp.logical_and(jj >= 1, j < count))
            def _():
                gather_copy(b1).wait()
                edge_copy(j, b1).wait()
                dcc = dst_cc.at[b1]
                for ii in range(C // L):
                    dcc[pl.ds(ii * L, L)] = (
                        idx_r[pl.ds(b1 * 2 * C + C + ii * L, L)])

            @pl.when(jj + 1 < count)
            def _():
                for cp in idx_copies(jj + 1, b1):
                    cp.start()

            @pl.when(jj < count)
            def _():
                b = jj % 2

                @pl.when(jj >= 2)
                def _():
                    scatter_copy(b).wait()

                for cp in idx_copies(jj, b):
                    cp.wait()
                gather_copy(b).start()
                edge_copy(jj, b).start()

            @pl.when(jnp.logical_and(jj >= 1, j < count))
            def _():
                g = gath2.at[b1]
                e = edge2.at[b1]

                @pl.loop(0, C, step=2)
                def _(r):
                    sls = [(r + rr, pl.ds(kk * L, L))
                           for rr in range(2) for kk in range(D // L)]
                    gs = [g[sl] for sl in sls]
                    es = [e[sl] for sl in sls]
                    for sl, gv, ev in zip(sls, gs, es):
                        g[sl] = jnp.maximum(gv + ev, 0.0)

                scatter_copy(b1).start(add=True)

        @pl.when(count >= 2)
        def _():
            scatter_copy(count % 2).wait()

        @pl.when(count >= 1)
        def _():
            scatter_copy((count - 1) % 2).wait()

        plsc.subcore_barrier()
        pltpu.sync_copy(acc_sh.at[pl.ds(row0, rows_per_tile)],
                        out_hbm.at[core].at[pl.ds(row0, rows_per_tile)])
        if extra:
            @pl.when(tid == NS - 1)
            def _():
                pltpu.sync_copy(acc_sh.at[pl.ds(N - extra, extra)],
                                out_hbm.at[core].at[pl.ds(N - extra, extra)])

    return k(node_inputs, edge_inputs, idx_fused)


def _tc_epilogue(node_inputs, p0, p1, W, b, scale):
    N, D = node_inputs.shape
    BN = 2000
    assert N % BN == 0

    def body(s_ref, x_ref, p0_ref, p1_ref, w_ref, b_ref, o_ref):
        h = x_ref[...] * s_ref[0] + p0_ref[...] + p1_ref[...]
        o_ref[...] = lax.dot_general(
            h, w_ref[...], (((1,), (1,)), ((), ())),
            preferred_element_type=jnp.float32) + b_ref[...]

    return pl.pallas_call(
        body,
        grid=(N // BN,),
        in_specs=[
            pl.BlockSpec(memory_space=pltpu.SMEM),
            pl.BlockSpec((BN, D), lambda i: (i, 0)),
            pl.BlockSpec((BN, D), lambda i: (i, 0)),
            pl.BlockSpec((BN, D), lambda i: (i, 0)),
            pl.BlockSpec((D, D), lambda i: (0, 0)),
            pl.BlockSpec((1, D), lambda i: (0, 0)),
        ],
        out_specs=pl.BlockSpec((BN, D), lambda i: (i, 0)),
        out_shape=jax.ShapeDtypeStruct((N, D), jnp.float32),
    )(scale, node_inputs, p0, p1, W, b)


def kernel(node_inputs, edge_inputs, edge_index, W, b, eps):
    idx2 = edge_index.astype(jnp.int32).reshape(2, -1, C)
    idx_fused = jnp.stack([idx2[0], idx2[1]], axis=1).reshape(-1)
    partials = _sc_aggregate(node_inputs, edge_inputs, idx_fused)
    scale = (1.0 + eps).astype(jnp.float32).reshape(1)
    return _tc_epilogue(node_inputs, partials[0], partials[1], W,
                        b.reshape(1, -1), scale)

# --- scband reference (transcript-rebuilt; emitter-appended) ---
"""Pipeline reference for scband-gine-77610059039113 (READ-ONLY COPY).

The authoritative reference and input builder live on the scoring server;
editing this copy changes nothing except your own understanding.
"""

import jax, jax.numpy as jnp
import numpy as np

N = 10000
E = 320000
D = 128

def setup_inputs(seed: int = 0) -> dict:
    key = jax.random.key(seed)
    k1, k2, k3, k4 = jax.random.split(key, 4)
    node_inputs = jax.random.normal(k1, (N, D), dtype=jnp.float32)
    edge_inputs = jax.random.normal(k2, (E, D), dtype=jnp.float32)
    edge_index = jax.random.randint(k3, (2, E), 0, N)
    # Parameters of the apply_func nn.Linear(in_feats, out_feats) and learnable eps
    W = jax.random.normal(k4, (D, D), dtype=jnp.float32) * (1.0 / np.sqrt(D))
    b = jnp.zeros((D,), dtype=jnp.float32)
    eps = jnp.zeros((), dtype=jnp.float32)  # learn_eps=True, init 0
    return {
        "node_inputs": node_inputs,
        "edge_inputs": edge_inputs,
        "edge_index": edge_index,
        "W": W,
        "b": b,
        "eps": eps,
    }

def reference(node_inputs, edge_inputs, edge_index, W, b, eps):
    # DGL GINEConv: h_i = Linear((1+eps) * x_i + sum_{j in N(i)} ReLU(x_j + e_ij))
    src = edge_index[0]
    dst = edge_index[1]
    msg = jax.nn.relu(node_inputs[src] + edge_inputs)            # gather + elementwise
    agg = jax.ops.segment_sum(msg, dst, num_segments=node_inputs.shape[0])  # scatter-add
    h = (1.0 + eps) * node_inputs + agg
    return h @ W.T + b

if __name__ == "__main__":
    import jax
    _d = setup_inputs()
    print(jax.jit(kernel)(*tuple(_d.values())))

</pallas_src>

<mosaic_0001>
#map = affine_map<(d0, d1) -> (0, 0)>
#map1 = affine_map<(d0, d1) -> (0)>
#map2 = affine_map<(d0, d1) -> (0, 0, 0)>
module attributes {stable_mosaic.version = 14 : i64} {
  func.func @k(%arg0: i32, %arg1: i32, %arg2: memref<10000x128xf32, #tpu.memory_space<hbm>>, %arg3: memref<320000x128xf32, #tpu.memory_space<hbm>>, %arg4: memref<640000xi32, #tpu.memory_space<hbm>>, %arg5: memref<2x10000x128xf32, #tpu.memory_space<hbm>>, %arg6: memref<10000x128xf32, #tpu.memory_space<vmem_shared>>, %arg7: memref<320xi32, #tpu.memory_space<vmem>>, %arg8: memref<2x80xi32, #tpu.memory_space<vmem>>, %arg9: memref<2x80x128xf32, #tpu.memory_space<vmem>>, %arg10: memref<2x80x128xf32, #tpu.memory_space<vmem>>, %arg11: memref<2x!tpu.dma_semaphore, #tpu.memory_space<semaphore_mem>>, %arg12: memref<2x!tpu.dma_semaphore, #tpu.memory_space<semaphore_mem>>, %arg13: memref<2x!tpu.dma_semaphore, #tpu.memory_space<semaphore_mem>>, %arg14: memref<2x!tpu.dma_semaphore, #tpu.memory_space<semaphore_mem>>) attributes {dimension_semantics = [#tpu.dimension_semantics<core_parallel>, #tpu.dimension_semantics<subcore_parallel>], iteration_bounds = array<i64: 2, 16>, scalar_prefetch = 0 : i64, scratch_operands = 9 : i64, tpu.core_type = #tpu.core_type<sc_vector_subcore>, window_params = [{transform_indices = #map}, {transform_indices = #map}, {transform_indices = #map1}, {transform_indices = #map2}]} {
    %mul3A = arith.constant 16 : i32
    %mul3A_0 = arith.muli %arg0, %mul3A : i32
    %add3A = arith.addi %mul3A_0, %arg1 : i32
    %mul3A_1 = arith.constant 125 : i32
    %mul3A_2 = arith.muli %add3A, %mul3A_1 : i32
    %min3A = arith.constant 0 : i32
    %min3A_3 = arith.minsi %add3A, %min3A : i32
    %add3A_4 = arith.addi %mul3A_2, %min3A_3 : i32
    %scan3A = arith.constant 0 : i32
    %scan3A_5 = arith.constant 0 : i32
    %scan3A_6 = arith.constant 80 : i32
    %scan3A_7 = arith.addi %scan3A_5, %scan3A_6 : i32
    %scan3A_8 = arith.constant 1 : i32
    scf.for %scan3A_92 = %scan3A_5 to %scan3A_7 step %scan3A_8  : i32 {
      %mul3A_93 = arith.constant 1 : i32
      %mul3A_94 = arith.muli %scan3A_92, %mul3A_93 : i32
      %add3A_95 = arith.constant 0 : i32
      %add3A_96 = arith.addi %add3A_95, %mul3A_94 : i32
      %broadcast_in_dim3A = arith.constant 0.000000e+00 : f32
      %broadcast_in_dim3A_97 = vector.broadcast %broadcast_in_dim3A : f32 to vector<16xf32>
      %swap3A = arith.constant 0 : i32
      %swap3A_98 = arith.constant 0 : i32
      %swap3A_99 = tpu.memref_slice %arg9[%scan3A, %swap3A, %swap3A_98] : memref<2x80x128xf32, #tpu.memory_space<vmem>> -> memref<1x80x128xf32, #tpu.memory_space<vmem>>
      %swap3A_100 = tpu.memref_squeeze %swap3A_99 : memref<1x80x128xf32, #tpu.memory_space<vmem>> -> memref<80x128xf32, #tpu.memory_space<vmem>>
      %swap3A_101 = arith.index_cast %add3A_96 : i32 to index
      %swap3A_102 = arith.constant 0 : index
      %swap3A_103 = tpu.vector_load %swap3A_100[%swap3A_101, %swap3A_102] {strides = array<i32>} : memref<80x128xf32, #tpu.memory_space<vmem>>, vector<1x16xf32>,
      %swap3A_104 = vector.shape_cast %swap3A_103 : vector<1x16xf32> to vector<16xf32>
      %swap3A_105 = vector.shape_cast %broadcast_in_dim3A_97 : vector<16xf32> to vector<1x16xf32>
      tpu.vector_store %swap3A_100[%swap3A_101, %swap3A_102], %swap3A_105 {strides = array<i32>} : memref<80x128xf32, #tpu.memory_space<vmem>>, vector<1x16xf32>,
      %broadcast_in_dim3A_106 = arith.constant 0.000000e+00 : f32
      %broadcast_in_dim3A_107 = vector.broadcast %broadcast_in_dim3A_106 : f32 to vector<16xf32>
      %swap3A_108 = arith.constant 0 : i32
      %swap3A_109 = arith.constant 0 : i32
      %swap3A_110 = tpu.memref_slice %arg9[%scan3A, %swap3A_108, %swap3A_109] : memref<2x80x128xf32, #tpu.memory_space<vmem>> -> memref<1x80x128xf32, #tpu.memory_space<vmem>>
      %swap3A_111 = tpu.memref_squeeze %swap3A_110 : memref<1x80x128xf32, #tpu.memory_space<vmem>> -> memref<80x128xf32, #tpu.memory_space<vmem>>
      %swap3A_112 = arith.index_cast %add3A_96 : i32 to index
      %swap3A_113 = arith.constant 16 : index
      %swap3A_114 = tpu.vector_load %swap3A_111[%swap3A_112, %swap3A_113] {strides = array<i32>} : memref<80x128xf32, #tpu.memory_space<vmem>>, vector<1x16xf32>,
      %swap3A_115 = vector.shape_cast %swap3A_114 : vector<1x16xf32> to vector<16xf32>
      %swap3A_116 = vector.shape_cast %broadcast_in_dim3A_107 : vector<16xf32> to vector<1x16xf32>
      tpu.vector_store %swap3A_111[%swap3A_112, %swap3A_113], %swap3A_116 {strides = array<i32>} : memref<80x128xf32, #tpu.memory_space<vmem>>, vector<1x16xf32>,
      %broadcast_in_dim3A_117 = arith.constant 0.000000e+00 : f32
      %broadcast_in_dim3A_118 = vector.broadcast %broadcast_in_dim3A_117 : f32 to vector<16xf32>
      %swap3A_119 = arith.constant 0 : i32
      %swap3A_120 = arith.constant 0 : i32
      %swap3A_121 = tpu.memref_slice %arg9[%scan3A, %swap3A_119, %swap3A_120] : memref<2x80x128xf32, #tpu.memory_space<vmem>> -> memref<1x80x128xf32, #tpu.memory_space<vmem>>
      %swap3A_122 = tpu.memref_squeeze %swap3A_121 : memref<1x80x128xf32, #tpu.memory_space<vmem>> -> memref<80x128xf32, #tpu.memory_space<vmem>>
      %swap3A_123 = arith.index_cast %add3A_96 : i32 to index
      %swap3A_124 = arith.constant 32 : index
      %swap3A_125 = tpu.vector_load %swap3A_122[%swap3A_123, %swap3A_124] {strides = array<i32>} : memref<80x128xf32, #tpu.memory_space<vmem>>, vector<1x16xf32>,
      %swap3A_126 = vector.shape_cast %swap3A_125 : vector<1x16xf32> to vector<16xf32>
      %swap3A_127 = vector.shape_cast %broadcast_in_dim3A_118 : vector<16xf32> to vector<1x16xf32>
      tpu.vector_store %swap3A_122[%swap3A_123, %swap3A_124], %swap3A_127 {strides = array<i32>} : memref<80x128xf32, #tpu.memory_space<vmem>>, vector<1x16xf32>,
      %broadcast_in_dim3A_128 = arith.constant 0.000000e+00 : f32
      %broadcast_in_dim3A_129 = vector.broadcast %broadcast_in_dim3A_128 : f32 to vector<16xf32>
      %swap3A_130 = arith.constant 0 : i32
      %swap3A_131 = arith.constant 0 : i32
      %swap3A_132 = tpu.memref_slice %arg9[%scan3A, %swap3A_130, %swap3A_131] : memref<2x80x128xf32, #tpu.memory_space<vmem>> -> memref<1x80x128xf32, #tpu.memory_space<vmem>>
      %swap3A_133 = tpu.memref_squeeze %swap3A_132 : memref<1x80x128xf32, #tpu.memory_space<vmem>> -> memref<80x128xf32, #tpu.memory_space<vmem>>
      %swap3A_134 = arith.index_cast %add3A_96 : i32 to index
      %swap3A_135 = arith.constant 48 : index
      %swap3A_136 = tpu.vector_load %swap3A_133[%swap3A_134, %swap3A_135] {strides = array<i32>} : memref<80x128xf32, #tpu.memory_space<vmem>>, vector<1x16xf32>,
      %swap3A_137 = vector.shape_cast %swap3A_136 : vector<1x16xf32> to vector<16xf32>
      %swap3A_138 = vector.shape_cast %broadcast_in_dim3A_129 : vector<16xf32> to vector<1x16xf32>
      tpu.vector_store %swap3A_133[%swap3A_134, %swap3A_135], %swap3A_138 {strides = array<i32>} : memref<80x128xf32, #tpu.memory_space<vmem>>, vector<1x16xf32>,
      %broadcast_in_dim3A_139 = arith.constant 0.000000e+00 : f32
      %broadcast_in_dim3A_140 = vector.broadcast %broadcast_in_dim3A_139 : f32 to vector<16xf32>
      %swap3A_141 = arith.constant 0 : i32
      %swap3A_142 = arith.constant 0 : i32
      %swap3A_143 = tpu.memref_slice %arg9[%scan3A, %swap3A_141, %swap3A_142] : memref<2x80x128xf32, #tpu.memory_space<vmem>> -> memref<1x80x128xf32, #tpu.memory_space<vmem>>
      %swap3A_144 = tpu.memref_squeeze %swap3A_143 : memref<1x80x128xf32, #tpu.memory_space<vmem>> -> memref<80x128xf32, #tpu.memory_space<vmem>>
      %swap3A_145 = arith.index_cast %add3A_96 : i32 to index
      %swap3A_146 = arith.constant 64 : index
      %swap3A_147 = tpu.vector_load %swap3A_144[%swap3A_145, %swap3A_146] {strides = array<i32>} : memref<80x128xf32, #tpu.memory_space<vmem>>, vector<1x16xf32>,
      %swap3A_148 = vector.shape_cast %swap3A_147 : vector<1x16xf32> to vector<16xf32>
      %swap3A_149 = vector.shape_cast %broadcast_in_dim3A_140 : vector<16xf32> to vector<1x16xf32>
      tpu.vector_store %swap3A_144[%swap3A_145, %swap3A_146], %swap3A_149 {strides = array<i32>} : memref<80x128xf32, #tpu.memory_space<vmem>>, vector<1x16xf32>,
      %broadcast_in_dim3A_150 = arith.constant 0.000000e+00 : f32
      %broadcast_in_dim3A_151 = vector.broadcast %broadcast_in_dim3A_150 : f32 to vector<16xf32>
      %swap3A_152 = arith.constant 0 : i32
      %swap3A_153 = arith.constant 0 : i32
      %swap3A_154 = tpu.memref_slice %arg9[%scan3A, %swap3A_152, %swap3A_153] : memref<2x80x128xf32, #tpu.memory_space<vmem>> -> memref<1x80x128xf32, #tpu.memory_space<vmem>>
      %swap3A_155 = tpu.memref_squeeze %swap3A_154 : memref<1x80x128xf32, #tpu.memory_space<vmem>> -> memref<80x128xf32, #tpu.memory_space<vmem>>
      %swap3A_156 = arith.index_cast %add3A_96 : i32 to index
      %swap3A_157 = arith.constant 80 : index
      %swap3A_158 = tpu.vector_load %swap3A_155[%swap3A_156, %swap3A_157] {strides = array<i32>} : memref<80x128xf32, #tpu.memory_space<vmem>>, vector<1x16xf32>,
      %swap3A_159 = vector.shape_cast %swap3A_158 : vector<1x16xf32> to vector<16xf32>
      %swap3A_160 = vector.shape_cast %broadcast_in_dim3A_151 : vector<16xf32> to vector<1x16xf32>
      tpu.vector_store %swap3A_155[%swap3A_156, %swap3A_157], %swap3A_160 {strides = array<i32>} : memref<80x128xf32, #tpu.memory_space<vmem>>, vector<1x16xf32>,
      %broadcast_in_dim3A_161 = arith.constant 0.000000e+00 : f32
      %broadcast_in_dim3A_162 = vector.broadcast %broadcast_in_dim3A_161 : f32 to vector<16xf32>
      %swap3A_163 = arith.constant 0 : i32
      %swap3A_164 = arith.constant 0 : i32
      %swap3A_165 = tpu.memref_slice %arg9[%scan3A, %swap3A_163, %swap3A_164] : memref<2x80x128xf32, #tpu.memory_space<vmem>> -> memref<1x80x128xf32, #tpu.memory_space<vmem>>
      %swap3A_166 = tpu.memref_squeeze %swap3A_165 : memref<1x80x128xf32, #tpu.memory_space<vmem>> -> memref<80x128xf32, #tpu.memory_space<vmem>>
      %swap3A_167 = arith.index_cast %add3A_96 : i32 to index
      %swap3A_168 = arith.constant 96 : index
      %swap3A_169 = tpu.vector_load %swap3A_166[%swap3A_167, %swap3A_168] {strides = array<i32>} : memref<80x128xf32, #tpu.memory_space<vmem>>, vector<1x16xf32>,
      %swap3A_170 = vector.shape_cast %swap3A_169 : vector<1x16xf32> to vector<16xf32>
      %swap3A_171 = vector.shape_cast %broadcast_in_dim3A_162 : vector<16xf32> to vector<1x16xf32>
      tpu.vector_store %swap3A_166[%swap3A_167, %swap3A_168], %swap3A_171 {strides = array<i32>} : memref<80x128xf32, #tpu.memory_space<vmem>>, vector<1x16xf32>,
      %broadcast_in_dim3A_172 = arith.constant 0.000000e+00 : f32
      %broadcast_in_dim3A_173 = vector.broadcast %broadcast_in_dim3A_172 : f32 to vector<16xf32>
      %swap3A_174 = arith.constant 0 : i32
      %swap3A_175 = arith.constant 0 : i32
      %swap3A_176 = tpu.memref_slice %arg9[%scan3A, %swap3A_174, %swap3A_175] : memref<2x80x128xf32, #tpu.memory_space<vmem>> -> memref<1x80x128xf32, #tpu.memory_space<vmem>>
      %swap3A_177 = tpu.memref_squeeze %swap3A_176 : memref<1x80x128xf32, #tpu.memory_space<vmem>> -> memref<80x128xf32, #tpu.memory_space<vmem>>
      %swap3A_178 = arith.index_cast %add3A_96 : i32 to index
      %swap3A_179 = arith.constant 112 : index
      %swap3A_180 = tpu.vector_load %swap3A_177[%swap3A_178, %swap3A_179] {strides = array<i32>} : memref<80x128xf32, #tpu.memory_space<vmem>>, vector<1x16xf32>,
      %swap3A_181 = vector.shape_cast %swap3A_180 : vector<1x16xf32> to vector<16xf32>
      %swap3A_182 = vector.shape_cast %broadcast_in_dim3A_173 : vector<16xf32> to vector<1x16xf32>
      tpu.vector_store %swap3A_177[%swap3A_178, %swap3A_179], %swap3A_182 {strides = array<i32>} : memref<80x128xf32, #tpu.memory_space<vmem>>, vector<1x16xf32>,
    }
    %scan3A_9 = arith.constant 80 : i32
    %mul3A_10 = arith.constant 624 : i32
    %mul3A_11 = arith.muli %arg1, %mul3A_10 : i32
    %add3A_12 = arith.constant 0 : i32
    %add3A_13 = arith.addi %mul3A_11, %add3A_12 : i32
    %run_scoped3A = arith.constant 0 : i32
    "tpu.region"() ({
      %run_scoped3A_92 = tpu.sem_alloc : memref<!tpu.dma_semaphore, #tpu.memory_space<semaphore_mem>>
      %dma_start3A_93 = arith.constant 0 : i32
      %dma_start3A_94 = arith.constant 0 : i32
      %dma_start3A_95 = tpu.memref_slice %arg9[%run_scoped3A, %dma_start3A_93, %dma_start3A_94] : memref<2x80x128xf32, #tpu.memory_space<vmem>> -> memref<1x80x128xf32, #tpu.memory_space<vmem>>
      %dma_start3A_96 = tpu.memref_squeeze %dma_start3A_95 : memref<1x80x128xf32, #tpu.memory_space<vmem>> -> memref<80x128xf32, #tpu.memory_space<vmem>>
      %dma_start3A_97 = arith.constant 0 : i32
      %dma_start3A_98 = tpu.memref_slice %arg6[%add3A_13, %dma_start3A_97] : memref<10000x128xf32, #tpu.memory_space<vmem_shared>> -> memref<80x128xf32, #tpu.memory_space<vmem_shared>>
      %dma_start3A_99 = arith.constant 0 : i32
      %dma_start3A_100 = tpu.memref_slice %arg6[%add3A_13, %dma_start3A_99] : memref<10000x128xf32, #tpu.memory_space<vmem_shared>> -> memref<80x128xf32, #tpu.memory_space<vmem_shared>>
      %dma_start3A_101 = arith.constant 0 : i32
      %dma_start3A_102 = arith.constant 0 : i32
      %dma_start3A_103 = tpu.memref_slice %arg9[%run_scoped3A, %dma_start3A_101, %dma_start3A_102] : memref<2x80x128xf32, #tpu.memory_space<vmem>> -> memref<1x80x128xf32, #tpu.memory_space<vmem>>
      %dma_start3A_104 = tpu.memref_squeeze %dma_start3A_103 : memref<1x80x128xf32, #tpu.memory_space<vmem>> -> memref<80x128xf32, #tpu.memory_space<vmem>>
      tpu.enqueue_dma source(%dma_start3A_104 : memref<80x128xf32, #tpu.memory_space<vmem>>) target(%dma_start3A_100 : memref<80x128xf32, #tpu.memory_space<vmem_shared>>) target_semaphore(%run_scoped3A_92 : memref<!tpu.dma_semaphore, #tpu.memory_space<semaphore_mem>>)
      %dma_wait3A_105 = arith.constant 0 : i32
      %dma_wait3A_106 = arith.constant 0 : i32
      %dma_wait3A_107 = tpu.memref_slice %arg9[%run_scoped3A, %dma_wait3A_105, %dma_wait3A_106] : memref<2x80x128xf32, #tpu.memory_space<vmem>> -> memref<1x80x128xf32, #tpu.memory_space<vmem>>
      %dma_wait3A_108 = tpu.memref_squeeze %dma_wait3A_107 : memref<1x80x128xf32, #tpu.memory_space<vmem>> -> memref<80x128xf32, #tpu.memory_space<vmem>>
      %dma_wait3A_109 = arith.constant 0 : i32
      %dma_wait3A_110 = tpu.memref_slice %arg6[%add3A_13, %dma_wait3A_109] : memref<10000x128xf32, #tpu.memory_space<vmem_shared>> -> memref<80x128xf32, #tpu.memory_space<vmem_shared>>
      %dma_wait3A_111 = arith.constant 0 : i32
      %dma_wait3A_112 = tpu.memref_slice %arg6[%add3A_13, %dma_wait3A_111] : memref<10000x128xf32, #tpu.memory_space<vmem_shared>> -> memref<80x128xf32, #tpu.memory_space<vmem_shared>>
      %dma_wait3A_113 = arith.constant 0 : i32
      %dma_wait3A_114 = arith.constant 0 : i32
      %dma_wait3A_115 = tpu.memref_slice %arg9[%run_scoped3A, %dma_wait3A_113, %dma_wait3A_114] : memref<2x80x128xf32, #tpu.memory_space<vmem>> -> memref<1x80x128xf32, #tpu.memory_space<vmem>>
      %dma_wait3A_116 = tpu.memref_squeeze %dma_wait3A_115 : memref<1x80x128xf32, #tpu.memory_space<vmem>> -> memref<80x128xf32, #tpu.memory_space<vmem>>
      tpu.wait_dma2 semaphore(%run_scoped3A_92 : memref<!tpu.dma_semaphore, #tpu.memory_space<semaphore_mem>>) src(%dma_wait3A_116 : memref<80x128xf32, #tpu.memory_space<vmem>>) dst(%dma_wait3A_112 : memref<80x128xf32, #tpu.memory_space<vmem_shared>>)
      tpu.yield
    }) : () -> ()
    %add3A_14 = arith.constant 80 : i32
    %add3A_15 = arith.addi %mul3A_11, %add3A_14 : i32
    %run_scoped3A_16 = arith.constant 0 : i32
    "tpu.region"() ({
      %run_scoped3A_92 = tpu.sem_alloc : memref<!tpu.dma_semaphore, #tpu.memory_space<semaphore_mem>>
      %dma_start3A_93 = arith.constant 0 : i32
      %dma_start3A_94 = arith.constant 0 : i32
      %dma_start3A_95 = tpu.memref_slice %arg9[%run_scoped3A_16, %dma_start3A_93, %dma_start3A_94] : memref<2x80x128xf32, #tpu.memory_space<vmem>> -> memref<1x80x128xf32, #tpu.memory_space<vmem>>
      %dma_start3A_96 = tpu.memref_squeeze %dma_start3A_95 : memref<1x80x128xf32, #tpu.memory_space<vmem>> -> memref<80x128xf32, #tpu.memory_space<vmem>>
      %dma_start3A_97 = arith.constant 0 : i32
      %dma_start3A_98 = tpu.memref_slice %arg6[%add3A_15, %dma_start3A_97] : memref<10000x128xf32, #tpu.memory_space<vmem_shared>> -> memref<80x128xf32, #tpu.memory_space<vmem_shared>>
      %dma_start3A_99 = arith.constant 0 : i32
      %dma_start3A_100 = tpu.memref_slice %arg6[%add3A_15, %dma_start3A_99] : memref<10000x128xf32, #tpu.memory_space<vmem_shared>> -> memref<80x128xf32, #tpu.memory_space<vmem_shared>>
      %dma_start3A_101 = arith.constant 0 : i32
      %dma_start3A_102 = arith.constant 0 : i32
      %dma_start3A_103 = tpu.memref_slice %arg9[%run_scoped3A_16, %dma_start3A_101, %dma_start3A_102] : memref<2x80x128xf32, #tpu.memory_space<vmem>> -> memref<1x80x128xf32, #tpu.memory_space<vmem>>
      %dma_start3A_104 = tpu.memref_squeeze %dma_start3A_103 : memref<1x80x128xf32, #tpu.memory_space<vmem>> -> memref<80x128xf32, #tpu.memory_space<vmem>>
      tpu.enqueue_dma source(%dma_start3A_104 : memref<80x128xf32, #tpu.memory_space<vmem>>) target(%dma_start3A_100 : memref<80x128xf32, #tpu.memory_space<vmem_shared>>) target_semaphore(%run_scoped3A_92 : memref<!tpu.dma_semaphore, #tpu.memory_space<semaphore_mem>>)
      %dma_wait3A_105 = arith.constant 0 : i32
      %dma_wait3A_106 = arith.constant 0 : i32
      %dma_wait3A_107 = tpu.memref_slice %arg9[%run_scoped3A_16, %dma_wait3A_105, %dma_wait3A_106] : memref<2x80x128xf32, #tpu.memory_space<vmem>> -> memref<1x80x128xf32, #tpu.memory_space<vmem>>
      %dma_wait3A_108 = tpu.memref_squeeze %dma_wait3A_107 : memref<1x80x128xf32, #tpu.memory_space<vmem>> -> memref<80x128xf32, #tpu.memory_space<vmem>>
      %dma_wait3A_109 = arith.constant 0 : i32
      %dma_wait3A_110 = tpu.memref_slice %arg6[%add3A_15, %dma_wait3A_109] : memref<10000x128xf32, #tpu.memory_space<vmem_shared>> -> memref<80x128xf32, #tpu.memory_space<vmem_shared>>
      %dma_wait3A_111 = arith.constant 0 : i32
      %dma_wait3A_112 = tpu.memref_slice %arg6[%add3A_15, %dma_wait3A_111] : memref<10000x128xf32, #tpu.memory_space<vmem_shared>> -> memref<80x128xf32, #tpu.memory_space<vmem_shared>>
      %dma_wait3A_113 = arith.constant 0 : i32
      %dma_wait3A_114 = arith.constant 0 : i32
      %dma_wait3A_115 = tpu.memref_slice %arg9[%run_scoped3A_16, %dma_wait3A_113, %dma_wait3A_114] : memref<2x80x128xf32, #tpu.memory_space<vmem>> -> memref<1x80x128xf32, #tpu.memory_space<vmem>>
      %dma_wait3A_116 = tpu.memref_squeeze %dma_wait3A_115 : memref<1x80x128xf32, #tpu.memory_space<vmem>> -> memref<80x128xf32, #tpu.memory_space<vmem>>
      tpu.wait_dma2 semaphore(%run_scoped3A_92 : memref<!tpu.dma_semaphore, #tpu.memory_space<semaphore_mem>>) src(%dma_wait3A_116 : memref<80x128xf32, #tpu.memory_space<vmem>>) dst(%dma_wait3A_112 : memref<80x128xf32, #tpu.memory_space<vmem_shared>>)
      tpu.yield
    }) : () -> ()
    %add3A_17 = arith.constant 160 : i32
    %add3A_18 = arith.addi %mul3A_11, %add3A_17 : i32
    %run_scoped3A_19 = arith.constant 0 : i32
    "tpu.region"() ({
      %run_scoped3A_92 = tpu.sem_alloc : memref<!tpu.dma_semaphore, #tpu.memory_space<semaphore_mem>>
      %dma_start3A_93 = arith.constant 0 : i32
      %dma_start3A_94 = arith.constant 0 : i32
      %dma_start3A_95 = tpu.memref_slice %arg9[%run_scoped3A_19, %dma_start3A_93, %dma_start3A_94] : memref<2x80x128xf32, #tpu.memory_space<vmem>> -> memref<1x80x128xf32, #tpu.memory_space<vmem>>
      %dma_start3A_96 = tpu.memref_squeeze %dma_start3A_95 : memref<1x80x128xf32, #tpu.memory_space<vmem>> -> memref<80x128xf32, #tpu.memory_space<vmem>>
      %dma_start3A_97 = arith.constant 0 : i32
      %dma_start3A_98 = tpu.memref_slice %arg6[%add3A_18, %dma_start3A_97] : memref<10000x128xf32, #tpu.memory_space<vmem_shared>> -> memref<80x128xf32, #tpu.memory_space<vmem_shared>>
      %dma_start3A_99 = arith.constant 0 : i32
      %dma_start3A_100 = tpu.memref_slice %arg6[%add3A_18, %dma_start3A_99] : memref<10000x128xf32, #tpu.memory_space<vmem_shared>> -> memref<80x128xf32, #tpu.memory_space<vmem_shared>>
      %dma_start3A_101 = arith.constant 0 : i32
      %dma_start3A_102 = arith.constant 0 : i32
      %dma_start3A_103 = tpu.memref_slice %arg9[%run_scoped3A_19, %dma_start3A_101, %dma_start3A_102] : memref<2x80x128xf32, #tpu.memory_space<vmem>> -> memref<1x80x128xf32, #tpu.memory_space<vmem>>
      %dma_start3A_104 = tpu.memref_squeeze %dma_start3A_103 : memref<1x80x128xf32, #tpu.memory_space<vmem>> -> memref<80x128xf32, #tpu.memory_space<vmem>>
      tpu.enqueue_dma source(%dma_start3A_104 : memref<80x128xf32, #tpu.memory_space<vmem>>) target(%dma_start3A_100 : memref<80x128xf32, #tpu.memory_space<vmem_shared>>) target_semaphore(%run_scoped3A_92 : memref<!tpu.dma_semaphore, #tpu.memory_space<semaphore_mem>>)
      %dma_wait3A_105 = arith.constant 0 : i32
      %dma_wait3A_106 = arith.constant 0 : i32
      %dma_wait3A_107 = tpu.memref_slice %arg9[%run_scoped3A_19, %dma_wait3A_105, %dma_wait3A_106] : memref<2x80x128xf32, #tpu.memory_space<vmem>> -> memref<1x80x128xf32, #tpu.memory_space<vmem>>
      %dma_wait3A_108 = tpu.memref_squeeze %dma_wait3A_107 : memref<1x80x128xf32, #tpu.memory_space<vmem>> -> memref<80x128xf32, #tpu.memory_space<vmem>>
      %dma_wait3A_109 = arith.constant 0 : i32
      %dma_wait3A_110 = tpu.memref_slice %arg6[%add3A_18, %dma_wait3A_109] : memref<10000x128xf32, #tpu.memory_space<vmem_shared>> -> memref<80x128xf32, #tpu.memory_space<vmem_shared>>
      %dma_wait3A_111 = arith.constant 0 : i32
      %dma_wait3A_112 = tpu.memref_slice %arg6[%add3A_18, %dma_wait3A_111] : memref<10000x128xf32, #tpu.memory_space<vmem_shared>> -> memref<80x128xf32, #tpu.memory_space<vmem_shared>>
      %dma_wait3A_113 = arith.constant 0 : i32
      %dma_wait3A_114 = arith.constant 0 : i32
      %dma_wait3A_115 = tpu.memref_slice %arg9[%run_scoped3A_19, %dma_wait3A_113, %dma_wait3A_114] : memref<2x80x128xf32, #tpu.memory_space<vmem>> -> memref<1x80x128xf32, #tpu.memory_space<vmem>>
      %dma_wait3A_116 = tpu.memref_squeeze %dma_wait3A_115 : memref<1x80x128xf32, #tpu.memory_space<vmem>> -> memref<80x128xf32, #tpu.memory_space<vmem>>
      tpu.wait_dma2 semaphore(%run_scoped3A_92 : memref<!tpu.dma_semaphore, #tpu.memory_space<semaphore_mem>>) src(%dma_wait3A_116 : memref<80x128xf32, #tpu.memory_space<vmem>>) dst(%dma_wait3A_112 : memref<80x128xf32, #tpu.memory_space<vmem_shared>>)
      tpu.yield
    }) : () -> ()
    %add3A_20 = arith.constant 240 : i32
    %add3A_21 = arith.addi %mul3A_11, %add3A_20 : i32
    %run_scoped3A_22 = arith.constant 0 : i32
    "tpu.region"() ({
      %run_scoped3A_92 = tpu.sem_alloc : memref<!tpu.dma_semaphore, #tpu.memory_space<semaphore_mem>>
      %dma_start3A_93 = arith.constant 0 : i32
      %dma_start3A_94 = arith.constant 0 : i32
      %dma_start3A_95 = tpu.memref_slice %arg9[%run_scoped3A_22, %dma_start3A_93, %dma_start3A_94] : memref<2x80x128xf32, #tpu.memory_space<vmem>> -> memref<1x80x128xf32, #tpu.memory_space<vmem>>
      %dma_start3A_96 = tpu.memref_squeeze %dma_start3A_95 : memref<1x80x128xf32, #tpu.memory_space<vmem>> -> memref<80x128xf32, #tpu.memory_space<vmem>>
      %dma_start3A_97 = arith.constant 0 : i32
      %dma_start3A_98 = tpu.memref_slice %arg6[%add3A_21, %dma_start3A_97] : memref<10000x128xf32, #tpu.memory_space<vmem_shared>> -> memref<80x128xf32, #tpu.memory_space<vmem_shared>>
      %dma_start3A_99 = arith.constant 0 : i32
      %dma_start3A_100 = tpu.memref_slice %arg6[%add3A_21, %dma_start3A_99] : memref<10000x128xf32, #tpu.memory_space<vmem_shared>> -> memref<80x128xf32, #tpu.memory_space<vmem_shared>>
      %dma_start3A_101 = arith.constant 0 : i32
      %dma_start3A_102 = arith.constant 0 : i32
      %dma_start3A_103 = tpu.memref_slice %arg9[%run_scoped3A_22, %dma_start3A_101, %dma_start3A_102] : memref<2x80x128xf32, #tpu.memory_space<vmem>> -> memref<1x80x128xf32, #tpu.memory_space<vmem>>
      %dma_start3A_104 = tpu.memref_squeeze %dma_start3A_103 : memref<1x80x128xf32, #tpu.memory_space<vmem>> -> memref<80x128xf32, #tpu.memory_space<vmem>>
      tpu.enqueue_dma source(%dma_start3A_104 : memref<80x128xf32, #tpu.memory_space<vmem>>) target(%dma_start3A_100 : memref<80x128xf32, #tpu.memory_space<vmem_shared>>) target_semaphore(%run_scoped3A_92 : memref<!tpu.dma_semaphore, #tpu.memory_space<semaphore_mem>>)
      %dma_wait3A_105 = arith.constant 0 : i32
      %dma_wait3A_106 = arith.constant 0 : i32
      %dma_wait3A_107 = tpu.memref_slice %arg9[%run_scoped3A_22, %dma_wait3A_105, %dma_wait3A_106] : memref<2x80x128xf32, #tpu.memory_space<vmem>> -> memref<1x80x128xf32, #tpu.memory_space<vmem>>
      %dma_wait3A_108 = tpu.memref_squeeze %dma_wait3A_107 : memref<1x80x128xf32, #tpu.memory_space<vmem>> -> memref<80x128xf32, #tpu.memory_space<vmem>>
      %dma_wait3A_109 = arith.constant 0 : i32
      %dma_wait3A_110 = tpu.memref_slice %arg6[%add3A_21, %dma_wait3A_109] : memref<10000x128xf32, #tpu.memory_space<vmem_shared>> -> memref<80x128xf32, #tpu.memory_space<vmem_shared>>
      %dma_wait3A_111 = arith.constant 0 : i32
      %dma_wait3A_112 = tpu.memref_slice %arg6[%add3A_21, %dma_wait3A_111] : memref<10000x128xf32, #tpu.memory_space<vmem_shared>> -> memref<80x128xf32, #tpu.memory_space<vmem_shared>>
      %dma_wait3A_113 = arith.constant 0 : i32
      %dma_wait3A_114 = arith.constant 0 : i32
      %dma_wait3A_115 = tpu.memref_slice %arg9[%run_scoped3A_22, %dma_wait3A_113, %dma_wait3A_114] : memref<2x80x128xf32, #tpu.memory_space<vmem>> -> memref<1x80x128xf32, #tpu.memory_space<vmem>>
      %dma_wait3A_116 = tpu.memref_squeeze %dma_wait3A_115 : memref<1x80x128xf32, #tpu.memory_space<vmem>> -> memref<80x128xf32, #tpu.memory_space<vmem>>
      tpu.wait_dma2 semaphore(%run_scoped3A_92 : memref<!tpu.dma_semaphore, #tpu.memory_space<semaphore_mem>>) src(%dma_wait3A_116 : memref<80x128xf32, #tpu.memory_space<vmem>>) dst(%dma_wait3A_112 : memref<80x128xf32, #tpu.memory_space<vmem_shared>>)
      tpu.yield
    }) : () -> ()
    %add3A_23 = arith.constant 320 : i32
    %add3A_24 = arith.addi %mul3A_11, %add3A_23 : i32
    %run_scoped3A_25 = arith.constant 0 : i32
    "tpu.region"() ({
      %run_scoped3A_92 = tpu.sem_alloc : memref<!tpu.dma_semaphore, #tpu.memory_space<semaphore_mem>>
      %dma_start3A_93 = arith.constant 0 : i32
      %dma_start3A_94 = arith.constant 0 : i32
      %dma_start3A_95 = tpu.memref_slice %arg9[%run_scoped3A_25, %dma_start3A_93, %dma_start3A_94] : memref<2x80x128xf32, #tpu.memory_space<vmem>> -> memref<1x80x128xf32, #tpu.memory_space<vmem>>
      %dma_start3A_96 = tpu.memref_squeeze %dma_start3A_95 : memref<1x80x128xf32, #tpu.memory_space<vmem>> -> memref<80x128xf32, #tpu.memory_space<vmem>>
      %dma_start3A_97 = arith.constant 0 : i32
      %dma_start3A_98 = tpu.memref_slice %arg6[%add3A_24, %dma_start3A_97] : memref<10000x128xf32, #tpu.memory_space<vmem_shared>> -> memref<80x128xf32, #tpu.memory_space<vmem_shared>>
      %dma_start3A_99 = arith.constant 0 : i32
      %dma_start3A_100 = tpu.memref_slice %arg6[%add3A_24, %dma_start3A_99] : memref<10000x128xf32, #tpu.memory_space<vmem_shared>> -> memref<80x128xf32, #tpu.memory_space<vmem_shared>>
      %dma_start3A_101 = arith.constant 0 : i32
      %dma_start3A_102 = arith.constant 0 : i32
      %dma_start3A_103 = tpu.memref_slice %arg9[%run_scoped3A_25, %dma_start3A_101, %dma_start3A_102] : memref<2x80x128xf32, #tpu.memory_space<vmem>> -> memref<1x80x128xf32, #tpu.memory_space<vmem>>
      %dma_start3A_104 = tpu.memref_squeeze %dma_start3A_103 : memref<1x80x128xf32, #tpu.memory_space<vmem>> -> memref<80x128xf32, #tpu.memory_space<vmem>>
      tpu.enqueue_dma source(%dma_start3A_104 : memref<80x128xf32, #tpu.memory_space<vmem>>) target(%dma_start3A_100 : memref<80x128xf32, #tpu.memory_space<vmem_shared>>) target_semaphore(%run_scoped3A_92 : memref<!tpu.dma_semaphore, #tpu.memory_space<semaphore_mem>>)
      %dma_wait3A_105 = arith.constant 0 : i32
      %dma_wait3A_106 = arith.constant 0 : i32
      %dma_wait3A_107 = tpu.memref_slice %arg9[%run_scoped3A_25, %dma_wait3A_105, %dma_wait3A_106] : memref<2x80x128xf32, #tpu.memory_space<vmem>> -> memref<1x80x128xf32, #tpu.memory_space<vmem>>
      %dma_wait3A_108 = tpu.memref_squeeze %dma_wait3A_107 : memref<1x80x128xf32, #tpu.memory_space<vmem>> -> memref<80x128xf32, #tpu.memory_space<vmem>>
      %dma_wait3A_109 = arith.constant 0 : i32
      %dma_wait3A_110 = tpu.memref_slice %arg6[%add3A_24, %dma_wait3A_109] : memref<10000x128xf32, #tpu.memory_space<vmem_shared>> -> memref<80x128xf32, #tpu.memory_space<vmem_shared>>
      %dma_wait3A_111 = arith.constant 0 : i32
      %dma_wait3A_112 = tpu.memref_slice %arg6[%add3A_24, %dma_wait3A_111] : memref<10000x128xf32, #tpu.memory_space<vmem_shared>> -> memref<80x128xf32, #tpu.memory_space<vmem_shared>>
      %dma_wait3A_113 = arith.constant 0 : i32
      %dma_wait3A_114 = arith.constant 0 : i32
      %dma_wait3A_115 = tpu.memref_slice %arg9[%run_scoped3A_25, %dma_wait3A_113, %dma_wait3A_114] : memref<2x80x128xf32, #tpu.memory_space<vmem>> -> memref<1x80x128xf32, #tpu.memory_space<vmem>>
      %dma_wait3A_116 = tpu.memref_squeeze %dma_wait3A_115 : memref<1x80x128xf32, #tpu.memory_space<vmem>> -> memref<80x128xf32, #tpu.memory_space<vmem>>
      tpu.wait_dma2 semaphore(%run_scoped3A_92 : memref<!tpu.dma_semaphore, #tpu.memory_space<semaphore_mem>>) src(%dma_wait3A_116 : memref<80x128xf32, #tpu.memory_space<vmem>>) dst(%dma_wait3A_112 : memref<80x128xf32, #tpu.memory_space<vmem_shared>>)
      tpu.yield
    }) : () -> ()
    %add3A_26 = arith.constant 400 : i32
    %add3A_27 = arith.addi %mul3A_11, %add3A_26 : i32
    %run_scoped3A_28 = arith.constant 0 : i32
    "tpu.region"() ({
      %run_scoped3A_92 = tpu.sem_alloc : memref<!tpu.dma_semaphore, #tpu.memory_space<semaphore_mem>>
      %dma_start3A_93 = arith.constant 0 : i32
      %dma_start3A_94 = arith.constant 0 : i32
      %dma_start3A_95 = tpu.memref_slice %arg9[%run_scoped3A_28, %dma_start3A_93, %dma_start3A_94] : memref<2x80x128xf32, #tpu.memory_space<vmem>> -> memref<1x80x128xf32, #tpu.memory_space<vmem>>
      %dma_start3A_96 = tpu.memref_squeeze %dma_start3A_95 : memref<1x80x128xf32, #tpu.memory_space<vmem>> -> memref<80x128xf32, #tpu.memory_space<vmem>>
      %dma_start3A_97 = arith.constant 0 : i32
      %dma_start3A_98 = tpu.memref_slice %arg6[%add3A_27, %dma_start3A_97] : memref<10000x128xf32, #tpu.memory_space<vmem_shared>> -> memref<80x128xf32, #tpu.memory_space<vmem_shared>>
      %dma_start3A_99 = arith.constant 0 : i32
      %dma_start3A_100 = tpu.memref_slice %arg6[%add3A_27, %dma_start3A_99] : memref<10000x128xf32, #tpu.memory_space<vmem_shared>> -> memref<80x128xf32, #tpu.memory_space<vmem_shared>>
      %dma_start3A_101 = arith.constant 0 : i32
      %dma_start3A_102 = arith.constant 0 : i32
      %dma_start3A_103 = tpu.memref_slice %arg9[%run_scoped3A_28, %dma_start3A_101, %dma_start3A_102] : memref<2x80x128xf32, #tpu.memory_space<vmem>> -> memref<1x80x128xf32, #tpu.memory_space<vmem>>
      %dma_start3A_104 = tpu.memref_squeeze %dma_start3A_103 : memref<1x80x128xf32, #tpu.memory_space<vmem>> -> memref<80x128xf32, #tpu.memory_space<vmem>>
      tpu.enqueue_dma source(%dma_start3A_104 : memref<80x128xf32, #tpu.memory_space<vmem>>) target(%dma_start3A_100 : memref<80x128xf32, #tpu.memory_space<vmem_shared>>) target_semaphore(%run_scoped3A_92 : memref<!tpu.dma_semaphore, #tpu.memory_space<semaphore_mem>>)
      %dma_wait3A_105 = arith.constant 0 : i32
      %dma_wait3A_106 = arith.constant 0 : i32
      %dma_wait3A_107 = tpu.memref_slice %arg9[%run_scoped3A_28, %dma_wait3A_105, %dma_wait3A_106] : memref<2x80x128xf32, #tpu.memory_space<vmem>> -> memref<1x80x128xf32, #tpu.memory_space<vmem>>
      %dma_wait3A_108 = tpu.memref_squeeze %dma_wait3A_107 : memref<1x80x128xf32, #tpu.memory_space<vmem>> -> memref<80x128xf32, #tpu.memory_space<vmem>>
      %dma_wait3A_109 = arith.constant 0 : i32
      %dma_wait3A_110 = tpu.memref_slice %arg6[%add3A_27, %dma_wait3A_109] : memref<10000x128xf32, #tpu.memory_space<vmem_shared>> -> memref<80x128xf32, #tpu.memory_space<vmem_shared>>
      %dma_wait3A_111 = arith.constant 0 : i32
      %dma_wait3A_112 = tpu.memref_slice %arg6[%add3A_27, %dma_wait3A_111] : memref<10000x128xf32, #tpu.memory_space<vmem_shared>> -> memref<80x128xf32, #tpu.memory_space<vmem_shared>>
      %dma_wait3A_113 = arith.constant 0 : i32
      %dma_wait3A_114 = arith.constant 0 : i32
      %dma_wait3A_115 = tpu.memref_slice %arg9[%run_scoped3A_28, %dma_wait3A_113, %dma_wait3A_114] : memref<2x80x128xf32, #tpu.memory_space<vmem>> -> memref<1x80x128xf32, #tpu.memory_space<vmem>>
      %dma_wait3A_116 = tpu.memref_squeeze %dma_wait3A_115 : memref<1x80x128xf32, #tpu.memory_space<vmem>> -> memref<80x128xf32, #tpu.memory_space<vmem>>
      tpu.wait_dma2 semaphore(%run_scoped3A_92 : memref<!tpu.dma_semaphore, #tpu.memory_space<semaphore_mem>>) src(%dma_wait3A_116 : memref<80x128xf32, #tpu.memory_space<vmem>>) dst(%dma_wait3A_112 : memref<80x128xf32, #tpu.memory_space<vmem_shared>>)
      tpu.yield
    }) : () -> ()
    %add3A_29 = arith.constant 480 : i32
    %add3A_30 = arith.addi %mul3A_11, %add3A_29 : i32
    %run_scoped3A_31 = arith.constant 0 : i32
    "tpu.region"() ({
      %run_scoped3A_92 = tpu.sem_alloc : memref<!tpu.dma_semaphore, #tpu.memory_space<semaphore_mem>>
      %dma_start3A_93 = arith.constant 0 : i32
      %dma_start3A_94 = arith.constant 0 : i32
      %dma_start3A_95 = tpu.memref_slice %arg9[%run_scoped3A_31, %dma_start3A_93, %dma_start3A_94] : memref<2x80x128xf32, #tpu.memory_space<vmem>> -> memref<1x80x128xf32, #tpu.memory_space<vmem>>
      %dma_start3A_96 = tpu.memref_squeeze %dma_start3A_95 : memref<1x80x128xf32, #tpu.memory_space<vmem>> -> memref<80x128xf32, #tpu.memory_space<vmem>>
      %dma_start3A_97 = arith.constant 0 : i32
      %dma_start3A_98 = tpu.memref_slice %arg6[%add3A_30, %dma_start3A_97] : memref<10000x128xf32, #tpu.memory_space<vmem_shared>> -> memref<80x128xf32, #tpu.memory_space<vmem_shared>>
      %dma_start3A_99 = arith.constant 0 : i32
      %dma_start3A_100 = tpu.memref_slice %arg6[%add3A_30, %dma_start3A_99] : memref<10000x128xf32, #tpu.memory_space<vmem_shared>> -> memref<80x128xf32, #tpu.memory_space<vmem_shared>>
      %dma_start3A_101 = arith.constant 0 : i32
      %dma_start3A_102 = arith.constant 0 : i32
      %dma_start3A_103 = tpu.memref_slice %arg9[%run_scoped3A_31, %dma_start3A_101, %dma_start3A_102] : memref<2x80x128xf32, #tpu.memory_space<vmem>> -> memref<1x80x128xf32, #tpu.memory_space<vmem>>
      %dma_start3A_104 = tpu.memref_squeeze %dma_start3A_103 : memref<1x80x128xf32, #tpu.memory_space<vmem>> -> memref<80x128xf32, #tpu.memory_space<vmem>>
      tpu.enqueue_dma source(%dma_start3A_104 : memref<80x128xf32, #tpu.memory_space<vmem>>) target(%dma_start3A_100 : memref<80x128xf32, #tpu.memory_space<vmem_shared>>) target_semaphore(%run_scoped3A_92 : memref<!tpu.dma_semaphore, #tpu.memory_space<semaphore_mem>>)
      %dma_wait3A_105 = arith.constant 0 : i32
      %dma_wait3A_106 = arith.constant 0 : i32
      %dma_wait3A_107 = tpu.memref_slice %arg9[%run_scoped3A_31, %dma_wait3A_105, %dma_wait3A_106] : memref<2x80x128xf32, #tpu.memory_space<vmem>> -> memref<1x80x128xf32, #tpu.memory_space<vmem>>
      %dma_wait3A_108 = tpu.memref_squeeze %dma_wait3A_107 : memref<1x80x128xf32, #tpu.memory_space<vmem>> -> memref<80x128xf32, #tpu.memory_space<vmem>>
      %dma_wait3A_109 = arith.constant 0 : i32
      %dma_wait3A_110 = tpu.memref_slice %arg6[%add3A_30, %dma_wait3A_109] : memref<10000x128xf32, #tpu.memory_space<vmem_shared>> -> memref<80x128xf32, #tpu.memory_space<vmem_shared>>
      %dma_wait3A_111 = arith.constant 0 : i32
      %dma_wait3A_112 = tpu.memref_slice %arg6[%add3A_30, %dma_wait3A_111] : memref<10000x128xf32, #tpu.memory_space<vmem_shared>> -> memref<80x128xf32, #tpu.memory_space<vmem_shared>>
      %dma_wait3A_113 = arith.constant 0 : i32
      %dma_wait3A_114 = arith.constant 0 : i32
      %dma_wait3A_115 = tpu.memref_slice %arg9[%run_scoped3A_31, %dma_wait3A_113, %dma_wait3A_114] : memref<2x80x128xf32, #tpu.memory_space<vmem>> -> memref<1x80x128xf32, #tpu.memory_space<vmem>>
      %dma_wait3A_116 = tpu.memref_squeeze %dma_wait3A_115 : memref<1x80x128xf32, #tpu.memory_space<vmem>> -> memref<80x128xf32, #tpu.memory_space<vmem>>
      tpu.wait_dma2 semaphore(%run_scoped3A_92 : memref<!tpu.dma_semaphore, #tpu.memory_space<semaphore_mem>>) src(%dma_wait3A_116 : memref<80x128xf32, #tpu.memory_space<vmem>>) dst(%dma_wait3A_112 : memref<80x128xf32, #tpu.memory_space<vmem_shared>>)
      tpu.yield
    }) : () -> ()
    %add3A_32 = arith.constant 560 : i32
    %add3A_33 = arith.addi %mul3A_11, %add3A_32 : i32
    %run_scoped3A_34 = arith.constant 0 : i32
    "tpu.region"() ({
      %run_scoped3A_92 = tpu.sem_alloc : memref<!tpu.dma_semaphore, #tpu.memory_space<semaphore_mem>>
      %dma_start3A_93 = arith.constant 0 : i32
      %dma_start3A_94 = arith.constant 0 : i32
      %dma_start3A_95 = tpu.memref_slice %arg9[%run_scoped3A_34, %dma_start3A_93, %dma_start3A_94] : memref<2x80x128xf32, #tpu.memory_space<vmem>> -> memref<1x80x128xf32, #tpu.memory_space<vmem>>
      %dma_start3A_96 = tpu.memref_squeeze %dma_start3A_95 : memref<1x80x128xf32, #tpu.memory_space<vmem>> -> memref<80x128xf32, #tpu.memory_space<vmem>>
      %dma_start3A_97 = arith.constant 0 : i32
      %dma_start3A_98 = arith.constant 0 : i32
      %dma_start3A_99 = tpu.memref_slice %dma_start3A_96[%dma_start3A_97, %dma_start3A_98] : memref<80x128xf32, #tpu.memory_space<vmem>> -> memref<64x128xf32, #tpu.memory_space<vmem>>
      %dma_start3A_100 = arith.constant 0 : i32
      %dma_start3A_101 = tpu.memref_slice %arg6[%add3A_33, %dma_start3A_100] : memref<10000x128xf32, #tpu.memory_space<vmem_shared>> -> memref<64x128xf32, #tpu.memory_space<vmem_shared>>
      %dma_start3A_102 = arith.constant 0 : i32
      %dma_start3A_103 = tpu.memref_slice %arg6[%add3A_33, %dma_start3A_102] : memref<10000x128xf32, #tpu.memory_space<vmem_shared>> -> memref<64x128xf32, #tpu.memory_space<vmem_shared>>
      %dma_start3A_104 = arith.constant 0 : i32
      %dma_start3A_105 = arith.constant 0 : i32
      %dma_start3A_106 = tpu.memref_slice %arg9[%run_scoped3A_34, %dma_start3A_104, %dma_start3A_105] : memref<2x80x128xf32, #tpu.memory_space<vmem>> -> memref<1x80x128xf32, #tpu.memory_space<vmem>>
      %dma_start3A_107 = tpu.memref_squeeze %dma_start3A_106 : memref<1x80x128xf32, #tpu.memory_space<vmem>> -> memref<80x128xf32, #tpu.memory_space<vmem>>
      %dma_start3A_108 = arith.constant 0 : i32
      %dma_start3A_109 = arith.constant 0 : i32
      %dma_start3A_110 = tpu.memref_slice %dma_start3A_107[%dma_start3A_108, %dma_start3A_109] : memref<80x128xf32, #tpu.memory_space<vmem>> -> memref<64x128xf32, #tpu.memory_space<vmem>>
      tpu.enqueue_dma source(%dma_start3A_110 : memref<64x128xf32, #tpu.memory_space<vmem>>) target(%dma_start3A_103 : memref<64x128xf32, #tpu.memory_space<vmem_shared>>) target_semaphore(%run_scoped3A_92 : memref<!tpu.dma_semaphore, #tpu.memory_space<semaphore_mem>>)
      %dma_wait3A_111 = arith.constant 0 : i32
      %dma_wait3A_112 = arith.constant 0 : i32
      %dma_wait3A_113 = tpu.memref_slice %arg9[%run_scoped3A_34, %dma_wait3A_111, %dma_wait3A_112] : memref<2x80x128xf32, #tpu.memory_space<vmem>> -> memref<1x80x128xf32, #tpu.memory_space<vmem>>
      %dma_wait3A_114 = tpu.memref_squeeze %dma_wait3A_113 : memref<1x80x128xf32, #tpu.memory_space<vmem>> -> memref<80x128xf32, #tpu.memory_space<vmem>>
      %dma_wait3A_115 = arith.constant 0 : i32
      %dma_wait3A_116 = arith.constant 0 : i32
      %dma_wait3A_117 = tpu.memref_slice %dma_wait3A_114[%dma_wait3A_115, %dma_wait3A_116] : memref<80x128xf32, #tpu.memory_space<vmem>> -> memref<64x128xf32, #tpu.memory_space<vmem>>
      %dma_wait3A_118 = arith.constant 0 : i32
      %dma_wait3A_119 = tpu.memref_slice %arg6[%add3A_33, %dma_wait3A_118] : memref<10000x128xf32, #tpu.memory_space<vmem_shared>> -> memref<64x128xf32, #tpu.memory_space<vmem_shared>>
      %dma_wait3A_120 = arith.constant 0 : i32
      %dma_wait3A_121 = tpu.memref_slice %arg6[%add3A_33, %dma_wait3A_120] : memref<10000x128xf32, #tpu.memory_space<vmem_shared>> -> memref<64x128xf32, #tpu.memory_space<vmem_shared>>
      %dma_wait3A_122 = arith.constant 0 : i32
      %dma_wait3A_123 = arith.constant 0 : i32
      %dma_wait3A_124 = tpu.memref_slice %arg9[%run_scoped3A_34, %dma_wait3A_122, %dma_wait3A_123] : memref<2x80x128xf32, #tpu.memory_space<vmem>> -> memref<1x80x128xf32, #tpu.memory_space<vmem>>
      %dma_wait3A_125 = tpu.memref_squeeze %dma_wait3A_124 : memref<1x80x128xf32, #tpu.memory_space<vmem>> -> memref<80x128xf32, #tpu.memory_space<vmem>>
      %dma_wait3A_126 = arith.constant 0 : i32
      %dma_wait3A_127 = arith.constant 0 : i32
      %dma_wait3A_128 = tpu.memref_slice %dma_wait3A_125[%dma_wait3A_126, %dma_wait3A_127] : memref<80x128xf32, #tpu.memory_space<vmem>> -> memref<64x128xf32, #tpu.memory_space<vmem>>
      tpu.wait_dma2 semaphore(%run_scoped3A_92 : memref<!tpu.dma_semaphore, #tpu.memory_space<semaphore_mem>>) src(%dma_wait3A_128 : memref<64x128xf32, #tpu.memory_space<vmem>>) dst(%dma_wait3A_121 : memref<64x128xf32, #tpu.memory_space<vmem_shared>>)
      tpu.yield
    }) : () -> ()
    %eq3A = arith.constant 15 : i32
    %eq3A_35 = arith.cmpi eq, %arg1, %eq3A : i32
    %convert_element_type3A = arith.extui %eq3A_35 : i1 to i32
    %cond3A = arith.constant 0 : i32
    %cond3A_36 = arith.constant 0 : i32
    %cond3A_37 = arith.cmpi ne, %convert_element_type3A, %cond3A_36 : i32
    scf.if %cond3A_37 {
      "tpu.region"() ({
        %run_scoped3A_92 = tpu.sem_alloc : memref<!tpu.dma_semaphore, #tpu.memory_space<semaphore_mem>>
        %dma_start3A_93 = arith.constant 0 : i32
        %dma_start3A_94 = arith.constant 0 : i32
        %dma_start3A_95 = tpu.memref_slice %arg9[%cond3A, %dma_start3A_93, %dma_start3A_94] : memref<2x80x128xf32, #tpu.memory_space<vmem>> -> memref<1x80x128xf32, #tpu.memory_space<vmem>>
        %dma_start3A_96 = tpu.memref_squeeze %dma_start3A_95 : memref<1x80x128xf32, #tpu.memory_space<vmem>> -> memref<80x128xf32, #tpu.memory_space<vmem>>
        %dma_start3A_97 = arith.constant 0 : i32
        %dma_start3A_98 = arith.constant 0 : i32
        %dma_start3A_99 = tpu.memref_slice %dma_start3A_96[%dma_start3A_97, %dma_start3A_98] : memref<80x128xf32, #tpu.memory_space<vmem>> -> memref<16x128xf32, #tpu.memory_space<vmem>>
        %dma_start3A_100 = arith.constant 9984 : i32
        %dma_start3A_101 = arith.constant 0 : i32
        %dma_start3A_102 = tpu.memref_slice %arg6[%dma_start3A_100, %dma_start3A_101] : memref<10000x128xf32, #tpu.memory_space<vmem_shared>> -> memref<16x128xf32, #tpu.memory_space<vmem_shared>>
        %dma_start3A_103 = arith.constant 9984 : i32
        %dma_start3A_104 = arith.constant 0 : i32
        %dma_start3A_105 = tpu.memref_slice %arg6[%dma_start3A_103, %dma_start3A_104] : memref<10000x128xf32, #tpu.memory_space<vmem_shared>> -> memref<16x128xf32, #tpu.memory_space<vmem_shared>>
        %dma_start3A_106 = arith.constant 0 : i32
        %dma_start3A_107 = arith.constant 0 : i32
        %dma_start3A_108 = tpu.memref_slice %arg9[%cond3A, %dma_start3A_106, %dma_start3A_107] : memref<2x80x128xf32, #tpu.memory_space<vmem>> -> memref<1x80x128xf32, #tpu.memory_space<vmem>>
        %dma_start3A_109 = tpu.memref_squeeze %dma_start3A_108 : memref<1x80x128xf32, #tpu.memory_space<vmem>> -> memref<80x128xf32, #tpu.memory_space<vmem>>
        %dma_start3A_110 = arith.constant 0 : i32
        %dma_start3A_111 = arith.constant 0 : i32
        %dma_start3A_112 = tpu.memref_slice %dma_start3A_109[%dma_start3A_110, %dma_start3A_111] : memref<80x128xf32, #tpu.memory_space<vmem>> -> memref<16x128xf32, #tpu.memory_space<vmem>>
        tpu.enqueue_dma source(%dma_start3A_112 : memref<16x128xf32, #tpu.memory_space<vmem>>) target(%dma_start3A_105 : memref<16x128xf32, #tpu.memory_space<vmem_shared>>) target_semaphore(%run_scoped3A_92 : memref<!tpu.dma_semaphore, #tpu.memory_space<semaphore_mem>>)
        %dma_wait3A_113 = arith.constant 0 : i32
        %dma_wait3A_114 = arith.constant 0 : i32
        %dma_wait3A_115 = tpu.memref_slice %arg9[%cond3A, %dma_wait3A_113, %dma_wait3A_114] : memref<2x80x128xf32, #tpu.memory_space<vmem>> -> memref<1x80x128xf32, #tpu.memory_space<vmem>>
        %dma_wait3A_116 = tpu.memref_squeeze %dma_wait3A_115 : memref<1x80x128xf32, #tpu.memory_space<vmem>> -> memref<80x128xf32, #tpu.memory_space<vmem>>
        %dma_wait3A_117 = arith.constant 0 : i32
        %dma_wait3A_118 = arith.constant 0 : i32
        %dma_wait3A_119 = tpu.memref_slice %dma_wait3A_116[%dma_wait3A_117, %dma_wait3A_118] : memref<80x128xf32, #tpu.memory_space<vmem>> -> memref<16x128xf32, #tpu.memory_space<vmem>>
        %dma_wait3A_120 = arith.constant 9984 : i32
        %dma_wait3A_121 = arith.constant 0 : i32
        %dma_wait3A_122 = tpu.memref_slice %arg6[%dma_wait3A_120, %dma_wait3A_121] : memref<10000x128xf32, #tpu.memory_space<vmem_shared>> -> memref<16x128xf32, #tpu.memory_space<vmem_shared>>
        %dma_wait3A_123 = arith.constant 9984 : i32
        %dma_wait3A_124 = arith.constant 0 : i32
        %dma_wait3A_125 = tpu.memref_slice %arg6[%dma_wait3A_123, %dma_wait3A_124] : memref<10000x128xf32, #tpu.memory_space<vmem_shared>> -> memref<16x128xf32, #tpu.memory_space<vmem_shared>>
        %dma_wait3A_126 = arith.constant 0 : i32
        %dma_wait3A_127 = arith.constant 0 : i32
        %dma_wait3A_128 = tpu.memref_slice %arg9[%cond3A, %dma_wait3A_126, %dma_wait3A_127] : memref<2x80x128xf32, #tpu.memory_space<vmem>> -> memref<1x80x128xf32, #tpu.memory_space<vmem>>
        %dma_wait3A_129 = tpu.memref_squeeze %dma_wait3A_128 : memref<1x80x128xf32, #tpu.memory_space<vmem>> -> memref<80x128xf32, #tpu.memory_space<vmem>>
        %dma_wait3A_130 = arith.constant 0 : i32
        %dma_wait3A_131 = arith.constant 0 : i32
        %dma_wait3A_132 = tpu.memref_slice %dma_wait3A_129[%dma_wait3A_130, %dma_wait3A_131] : memref<80x128xf32, #tpu.memory_space<vmem>> -> memref<16x128xf32, #tpu.memory_space<vmem>>
        tpu.wait_dma2 semaphore(%run_scoped3A_92 : memref<!tpu.dma_semaphore, #tpu.memory_space<semaphore_mem>>) src(%dma_wait3A_132 : memref<16x128xf32, #tpu.memory_space<vmem>>) dst(%dma_wait3A_125 : memref<16x128xf32, #tpu.memory_space<vmem_shared>>)
        tpu.yield
      }) : () -> ()
    } else {
    }
    %barrier3A = arith.constant 0 : index
    tpu.barrier barrier_id(%barrier3A)
    %add3A_38 = arith.constant 0 : i32
    %add3A_39 = arith.addi %add3A_4, %add3A_38 : i32
    %mul3A_40 = arith.constant 2 : i32
    %mul3A_41 = arith.muli %add3A_39, %mul3A_40 : i32
    %mul3A_42 = arith.constant 80 : i32
    %mul3A_43 = arith.muli %mul3A_41, %mul3A_42 : i32
    %dma_start3A = arith.constant 0 : i32
    %dma_start3A_44 = arith.constant 0 : i32
    %dma_start3A_45 = tpu.memref_slice %arg7[%dma_start3A_44] : memref<320xi32, #tpu.memory_space<vmem>> -> memref<160xi32, #tpu.memory_space<vmem>>
    %dma_start3A_46 = tpu.memref_slice %arg4[%mul3A_43] : memref<640000xi32, #tpu.memory_space<hbm>> -> memref<160xi32, #tpu.memory_space<hbm>>
    %dma_start3A_47 = tpu.memref_slice %arg13[%dma_start3A] : memref<2x!tpu.dma_semaphore, #tpu.memory_space<semaphore_mem>> -> memref<1x!tpu.dma_semaphore, #tpu.memory_space<semaphore_mem>>
    %dma_start3A_48 = tpu.memref_squeeze %dma_start3A_47 : memref<1x!tpu.dma_semaphore, #tpu.memory_space<semaphore_mem>> -> memref<!tpu.dma_semaphore, #tpu.memory_space<semaphore_mem>>
    %dma_start3A_49 = arith.constant 0 : i32
    %dma_start3A_50 = tpu.memref_slice %arg7[%dma_start3A_49] : memref<320xi32, #tpu.memory_space<vmem>> -> memref<160xi32, #tpu.memory_space<vmem>>
    %dma_start3A_51 = tpu.memref_slice %arg4[%mul3A_43] : memref<640000xi32, #tpu.memory_space<hbm>> -> memref<160xi32, #tpu.memory_space<hbm>>
    tpu.enqueue_dma source(%dma_start3A_51 : memref<160xi32, #tpu.memory_space<hbm>>) target(%dma_start3A_50 : memref<160xi32, #tpu.memory_space<vmem>>) target_semaphore(%dma_start3A_48 : memref<!tpu.dma_semaphore, #tpu.memory_space<semaphore_mem>>)
    %scan3A_52 = arith.constant 0 : i32
    %scan3A_53 = arith.constant 126 : i32
    %scan3A_54 = arith.addi %scan3A_52, %scan3A_53 : i32
    %scan3A_55 = arith.constant 1 : i32
    scf.for %scan3A_92 = %scan3A_52 to %scan3A_54 step %scan3A_55  : i32 {
      %mul3A_93 = arith.constant 1 : i32
      %mul3A_94 = arith.muli %scan3A_92, %mul3A_93 : i32
      %add3A_95 = arith.constant 0 : i32
      %add3A_96 = arith.addi %add3A_95, %mul3A_94 : i32
      %sub3A = arith.constant 1 : i32
      %sub3A_97 = arith.subi %add3A_96, %sub3A : i32
      %jit3A = arith.constant 2 : i32
      %eq3A_98 = arith.constant 0 : i32
      %eq3A_99 = arith.cmpi eq, %jit3A, %eq3A_98 : i32
      %jit3A_100 = arith.constant 1 : i32
      %select_n3A = arith.select %eq3A_99, %jit3A_100, %jit3A : i32
      %rem3A = arith.remsi %sub3A_97, %select_n3A : i32
      %ne3A = arith.constant 0 : i32
      %ne3A_101 = arith.cmpi ne, %rem3A, %ne3A : i32
      %lt3A = arith.constant 0 : i32
      %lt3A_102 = arith.cmpi slt, %rem3A, %lt3A : i32
      %lt3A_103 = arith.constant 0 : i32
      %lt3A_104 = arith.cmpi slt, %select_n3A, %lt3A_103 : i32
      %ne3A_105 = arith.xori %lt3A_102, %lt3A_104 : i1
      %and3A = arith.andi %ne3A_105, %ne3A_101 : i1
      %add3A_106 = arith.addi %rem3A, %select_n3A : i32
      %select_n3A_107 = arith.select %and3A, %add3A_106, %rem3A : i32
      %ge3A = arith.constant 1 : i32
      %ge3A_108 = arith.cmpi sge, %add3A_96, %ge3A : i32
      %lt3A_109 = arith.constant 125 : i32
      %lt3A_110 = arith.cmpi slt, %sub3A_97, %lt3A_109 : i32
      %and3A_111 = arith.andi %ge3A_108, %lt3A_110 : i1
      %convert_element_type3A_112 = arith.extui %and3A_111 : i1 to i32
      %cond3A_113 = arith.constant 0 : i32
      %cond3A_114 = arith.cmpi ne, %convert_element_type3A_112, %cond3A_113 : i32
      scf.if %cond3A_114 {
        %mul3A_135 = arith.constant 2 : i32
        %mul3A_136 = arith.muli %select_n3A_107, %mul3A_135 : i32
        %mul3A_137 = arith.constant 80 : i32
        %mul3A_138 = arith.muli %mul3A_136, %mul3A_137 : i32
        %dma_wait3A_139 = arith.constant 0 : i32
        %dma_wait3A_140 = arith.constant 0 : i32
        %dma_wait3A_141 = tpu.memref_slice %arg9[%select_n3A_107, %dma_wait3A_139, %dma_wait3A_140] : memref<2x80x128xf32, #tpu.memory_space<vmem>> -> memref<1x80x128xf32, #tpu.memory_space<vmem>>
        %dma_wait3A_142 = tpu.memref_squeeze %dma_wait3A_141 : memref<1x80x128xf32, #tpu.memory_space<vmem>> -> memref<80x128xf32, #tpu.memory_space<vmem>>
        %dma_wait3A_143 = tpu.memref_slice %arg7[%mul3A_138] : memref<320xi32, #tpu.memory_space<vmem>> -> memref<80xi32, #tpu.memory_space<vmem>>
        %dma_wait3A_144 = arith.constant 0 : i32
        %dma_wait3A_145 = arith.constant 0 : i32
        %dma_wait3A_146 = tpu.memref_slice %arg2[%dma_wait3A_144, %dma_wait3A_145] : memref<10000x128xf32, #tpu.memory_space<hbm>> -> memref<10000x128xf32, #tpu.memory_space<hbm>>
        %dma_wait3A_147 = tpu.memref_slice %arg11[%select_n3A_107] : memref<2x!tpu.dma_semaphore, #tpu.memory_space<semaphore_mem>> -> memref<1x!tpu.dma_semaphore, #tpu.memory_space<semaphore_mem>>
        %dma_wait3A_148 = tpu.memref_squeeze %dma_wait3A_147 : memref<1x!tpu.dma_semaphore, #tpu.memory_space<semaphore_mem>> -> memref<!tpu.dma_semaphore, #tpu.memory_space<semaphore_mem>>
        tpu.wait_indirect_dma semaphore(%dma_wait3A_148 : memref<!tpu.dma_semaphore, #tpu.memory_space<semaphore_mem>>) src(%dma_wait3A_146 : memref<10000x128xf32, #tpu.memory_space<hbm>>) dst(%dma_wait3A_142 : memref<80x128xf32, #tpu.memory_space<vmem>>)
        %add3A_149 = arith.addi %add3A_4, %sub3A_97 : i32
        %mul3A_150 = arith.constant 80 : i32
        %mul3A_151 = arith.muli %add3A_149, %mul3A_150 : i32
        %dma_wait3A_152 = arith.constant 0 : i32
        %dma_wait3A_153 = arith.constant 0 : i32
        %dma_wait3A_154 = tpu.memref_slice %arg10[%select_n3A_107, %dma_wait3A_152, %dma_wait3A_153] : memref<2x80x128xf32, #tpu.memory_space<vmem>> -> memref<1x80x128xf32, #tpu.memory_space<vmem>>
        %dma_wait3A_155 = tpu.memref_squeeze %dma_wait3A_154 : memref<1x80x128xf32, #tpu.memory_space<vmem>> -> memref<80x128xf32, #tpu.memory_space<vmem>>
        %dma_wait3A_156 = arith.constant 0 : i32
        %dma_wait3A_157 = tpu.memref_slice %arg3[%mul3A_151, %dma_wait3A_156] : memref<320000x128xf32, #tpu.memory_space<hbm>> -> memref<80x128xf32, #tpu.memory_space<hbm>>
        %dma_wait3A_158 = tpu.memref_slice %arg12[%select_n3A_107] : memref<2x!tpu.dma_semaphore, #tpu.memory_space<semaphore_mem>> -> memref<1x!tpu.dma_semaphore, #tpu.memory_space<semaphore_mem>>
        %dma_wait3A_159 = tpu.memref_squeeze %dma_wait3A_158 : memref<1x!tpu.dma_semaphore, #tpu.memory_space<semaphore_mem>> -> memref<!tpu.dma_semaphore, #tpu.memory_space<semaphore_mem>>
        %dma_wait3A_160 = arith.constant 0 : i32
        %dma_wait3A_161 = arith.constant 0 : i32
        %dma_wait3A_162 = tpu.memref_slice %arg10[%select_n3A_107, %dma_wait3A_160, %dma_wait3A_161] : memref<2x80x128xf32, #tpu.memory_space<vmem>> -> memref<1x80x128xf32, #tpu.memory_space<vmem>>
        %dma_wait3A_163 = tpu.memref_squeeze %dma_wait3A_162 : memref<1x80x128xf32, #tpu.memory_space<vmem>> -> memref<80x128xf32, #tpu.memory_space<vmem>>
        %dma_wait3A_164 = arith.constant 0 : i32
        %dma_wait3A_165 = tpu.memref_slice %arg3[%mul3A_151, %dma_wait3A_164] : memref<320000x128xf32, #tpu.memory_space<hbm>> -> memref<80x128xf32, #tpu.memory_space<hbm>>
        tpu.wait_dma2 semaphore(%dma_wait3A_159 : memref<!tpu.dma_semaphore, #tpu.memory_space<semaphore_mem>>) src(%dma_wait3A_165 : memref<80x128xf32, #tpu.memory_space<hbm>>) dst(%dma_wait3A_163 : memref<80x128xf32, #tpu.memory_space<vmem>>)
        %mul3A_166 = arith.constant 2 : i32
        %mul3A_167 = arith.muli %select_n3A_107, %mul3A_166 : i32
        %mul3A_168 = arith.constant 80 : i32
        %mul3A_169 = arith.muli %mul3A_167, %mul3A_168 : i32
        %add3A_170 = arith.constant 80 : i32
        %add3A_171 = arith.addi %mul3A_169, %add3A_170 : i32
        %add3A_172 = arith.constant 0 : i32
        %add3A_173 = arith.addi %add3A_171, %add3A_172 : i32
        %get3A = arith.index_cast %add3A_173 : i32 to index
        %get3A_174 = tpu.vector_load %arg7[%get3A] {strides = array<i32>} : memref<320xi32, #tpu.memory_space<vmem>>, vector<16xi32>,
        %get3A_175 = vector.shape_cast %get3A_174 : vector<16xi32> to vector<16xi32>
        %swap3A = arith.constant 0 : i32
        %swap3A_176 = tpu.memref_slice %arg8[%select_n3A_107, %swap3A] : memref<2x80xi32, #tpu.memory_space<vmem>> -> memref<1x80xi32, #tpu.memory_space<vmem>>
        %swap3A_177 = tpu.memref_squeeze %swap3A_176 : memref<1x80xi32, #tpu.memory_space<vmem>> -> memref<80xi32, #tpu.memory_space<vmem>>
        %swap3A_178 = arith.constant 0 : index
        %swap3A_179 = tpu.vector_load %swap3A_177[%swap3A_178] {strides = array<i32>} : memref<80xi32, #tpu.memory_space<vmem>>, vector<16xi32>,
        %swap3A_180 = vector.shape_cast %swap3A_179 : vector<16xi32> to vector<16xi32>
        %swap3A_181 = vector.shape_cast %get3A_175 : vector<16xi32> to vector<16xi32>
        tpu.vector_store %swap3A_177[%swap3A_178], %swap3A_181 {strides = array<i32>} : memref<80xi32, #tpu.memory_space<vmem>>, vector<16xi32>,
        %mul3A_182 = arith.constant 2 : i32
        %mul3A_183 = arith.muli %select_n3A_107, %mul3A_182 : i32
        %mul3A_184 = arith.constant 80 : i32
        %mul3A_185 = arith.muli %mul3A_183, %mul3A_184 : i32
        %add3A_186 = arith.constant 80 : i32
        %add3A_187 = arith.addi %mul3A_185, %add3A_186 : i32
        %add3A_188 = arith.constant 16 : i32
        %add3A_189 = arith.addi %add3A_187, %add3A_188 : i32
        %get3A_190 = arith.index_cast %add3A_189 : i32 to index
        %get3A_191 = tpu.vector_load %arg7[%get3A_190] {strides = array<i32>} : memref<320xi32, #tpu.memory_space<vmem>>, vector<16xi32>,
        %get3A_192 = vector.shape_cast %get3A_191 : vector<16xi32> to vector<16xi32>
        %swap3A_193 = arith.constant 0 : i32
        %swap3A_194 = tpu.memref_slice %arg8[%select_n3A_107, %swap3A_193] : memref<2x80xi32, #tpu.memory_space<vmem>> -> memref<1x80xi32, #tpu.memory_space<vmem>>
        %swap3A_195 = tpu.memref_squeeze %swap3A_194 : memref<1x80xi32, #tpu.memory_space<vmem>> -> memref<80xi32, #tpu.memory_space<vmem>>
        %swap3A_196 = arith.constant 16 : index
        %swap3A_197 = tpu.vector_load %swap3A_195[%swap3A_196] {strides = array<i32>} : memref<80xi32, #tpu.memory_space<vmem>>, vector<16xi32>,
        %swap3A_198 = vector.shape_cast %swap3A_197 : vector<16xi32> to vector<16xi32>
        %swap3A_199 = vector.shape_cast %get3A_192 : vector<16xi32> to vector<16xi32>
        tpu.vector_store %swap3A_195[%swap3A_196], %swap3A_199 {strides = array<i32>} : memref<80xi32, #tpu.memory_space<vmem>>, vector<16xi32>,
        %mul3A_200 = arith.constant 2 : i32
        %mul3A_201 = arith.muli %select_n3A_107, %mul3A_200 : i32
        %mul3A_202 = arith.constant 80 : i32
        %mul3A_203 = arith.muli %mul3A_201, %mul3A_202 : i32
        %add3A_204 = arith.constant 80 : i32
        %add3A_205 = arith.addi %mul3A_203, %add3A_204 : i32
        %add3A_206 = arith.constant 32 : i32
        %add3A_207 = arith.addi %add3A_205, %add3A_206 : i32
        %get3A_208 = arith.index_cast %add3A_207 : i32 to index
        %get3A_209 = tpu.vector_load %arg7[%get3A_208] {strides = array<i32>} : memref<320xi32, #tpu.memory_space<vmem>>, vector<16xi32>,
        %get3A_210 = vector.shape_cast %get3A_209 : vector<16xi32> to vector<16xi32>
        %swap3A_211 = arith.constant 0 : i32
        %swap3A_212 = tpu.memref_slice %arg8[%select_n3A_107, %swap3A_211] : memref<2x80xi32, #tpu.memory_space<vmem>> -> memref<1x80xi32, #tpu.memory_space<vmem>>
        %swap3A_213 = tpu.memref_squeeze %swap3A_212 : memref<1x80xi32, #tpu.memory_space<vmem>> -> memref<80xi32, #tpu.memory_space<vmem>>
        %swap3A_214 = arith.constant 32 : index
        %swap3A_215 = tpu.vector_load %swap3A_213[%swap3A_214] {strides = array<i32>} : memref<80xi32, #tpu.memory_space<vmem>>, vector<16xi32>,
        %swap3A_216 = vector.shape_cast %swap3A_215 : vector<16xi32> to vector<16xi32>
        %swap3A_217 = vector.shape_cast %get3A_210 : vector<16xi32> to vector<16xi32>
        tpu.vector_store %swap3A_213[%swap3A_214], %swap3A_217 {strides = array<i32>} : memref<80xi32, #tpu.memory_space<vmem>>, vector<16xi32>,
        %mul3A_218 = arith.constant 2 : i32
        %mul3A_219 = arith.muli %select_n3A_107, %mul3A_218 : i32
        %mul3A_220 = arith.constant 80 : i32
        %mul3A_221 = arith.muli %mul3A_219, %mul3A_220 : i32
        %add3A_222 = arith.constant 80 : i32
        %add3A_223 = arith.addi %mul3A_221, %add3A_222 : i32
        %add3A_224 = arith.constant 48 : i32
        %add3A_225 = arith.addi %add3A_223, %add3A_224 : i32
        %get3A_226 = arith.index_cast %add3A_225 : i32 to index
        %get3A_227 = tpu.vector_load %arg7[%get3A_226] {strides = array<i32>} : memref<320xi32, #tpu.memory_space<vmem>>, vector<16xi32>,
        %get3A_228 = vector.shape_cast %get3A_227 : vector<16xi32> to vector<16xi32>
        %swap3A_229 = arith.constant 0 : i32
        %swap3A_230 = tpu.memref_slice %arg8[%select_n3A_107, %swap3A_229] : memref<2x80xi32, #tpu.memory_space<vmem>> -> memref<1x80xi32, #tpu.memory_space<vmem>>
        %swap3A_231 = tpu.memref_squeeze %swap3A_230 : memref<1x80xi32, #tpu.memory_space<vmem>> -> memref<80xi32, #tpu.memory_space<vmem>>
        %swap3A_232 = arith.constant 48 : index
        %swap3A_233 = tpu.vector_load %swap3A_231[%swap3A_232] {strides = array<i32>} : memref<80xi32, #tpu.memory_space<vmem>>, vector<16xi32>,
        %swap3A_234 = vector.shape_cast %swap3A_233 : vector<16xi32> to vector<16xi32>
        %swap3A_235 = vector.shape_cast %get3A_228 : vector<16xi32> to vector<16xi32>
        tpu.vector_store %swap3A_231[%swap3A_232], %swap3A_235 {strides = array<i32>} : memref<80xi32, #tpu.memory_space<vmem>>, vector<16xi32>,
        %mul3A_236 = arith.constant 2 : i32
        %mul3A_237 = arith.muli %select_n3A_107, %mul3A_236 : i32
        %mul3A_238 = arith.constant 80 : i32
        %mul3A_239 = arith.muli %mul3A_237, %mul3A_238 : i32
        %add3A_240 = arith.constant 80 : i32
        %add3A_241 = arith.addi %mul3A_239, %add3A_240 : i32
        %add3A_242 = arith.constant 64 : i32
        %add3A_243 = arith.addi %add3A_241, %add3A_242 : i32
        %get3A_244 = arith.index_cast %add3A_243 : i32 to index
        %get3A_245 = tpu.vector_load %arg7[%get3A_244] {strides = array<i32>} : memref<320xi32, #tpu.memory_space<vmem>>, vector<16xi32>,
        %get3A_246 = vector.shape_cast %get3A_245 : vector<16xi32> to vector<16xi32>
        %swap3A_247 = arith.constant 0 : i32
        %swap3A_248 = tpu.memref_slice %arg8[%select_n3A_107, %swap3A_247] : memref<2x80xi32, #tpu.memory_space<vmem>> -> memref<1x80xi32, #tpu.memory_space<vmem>>
        %swap3A_249 = tpu.memref_squeeze %swap3A_248 : memref<1x80xi32, #tpu.memory_space<vmem>> -> memref<80xi32, #tpu.memory_space<vmem>>
        %swap3A_250 = arith.constant 64 : index
        %swap3A_251 = tpu.vector_load %swap3A_249[%swap3A_250] {strides = array<i32>} : memref<80xi32, #tpu.memory_space<vmem>>, vector<16xi32>,
        %swap3A_252 = vector.shape_cast %swap3A_251 : vector<16xi32> to vector<16xi32>
        %swap3A_253 = vector.shape_cast %get3A_246 : vector<16xi32> to vector<16xi32>
        tpu.vector_store %swap3A_249[%swap3A_250], %swap3A_253 {strides = array<i32>} : memref<80xi32, #tpu.memory_space<vmem>>, vector<16xi32>,
      } else {
      }
      %add3A_115 = arith.constant 1 : i32
      %add3A_116 = arith.addi %add3A_96, %add3A_115 : i32
      %lt3A_117 = arith.constant 125 : i32
      %lt3A_118 = arith.cmpi slt, %add3A_116, %lt3A_117 : i32
      %convert_element_type3A_119 = arith.extui %lt3A_118 : i1 to i32
      %cond3A_120 = arith.constant 0 : i32
      %cond3A_121 = arith.cmpi ne, %convert_element_type3A_119, %cond3A_120 : i32
      scf.if %cond3A_121 {
        %add3A_135 = arith.constant 1 : i32
        %add3A_136 = arith.addi %add3A_96, %add3A_135 : i32
        %add3A_137 = arith.addi %add3A_4, %add3A_136 : i32
        %mul3A_138 = arith.constant 2 : i32
        %mul3A_139 = arith.muli %add3A_137, %mul3A_138 : i32
        %mul3A_140 = arith.constant 80 : i32
        %mul3A_141 = arith.muli %mul3A_139, %mul3A_140 : i32
        %mul3A_142 = arith.constant 2 : i32
        %mul3A_143 = arith.muli %select_n3A_107, %mul3A_142 : i32
        %mul3A_144 = arith.constant 80 : i32
        %mul3A_145 = arith.muli %mul3A_143, %mul3A_144 : i32
        %dma_start3A_146 = tpu.memref_slice %arg7[%mul3A_145] : memref<320xi32, #tpu.memory_space<vmem>> -> memref<160xi32, #tpu.memory_space<vmem>>
        %dma_start3A_147 = tpu.memref_slice %arg4[%mul3A_141] : memref<640000xi32, #tpu.memory_space<hbm>> -> memref<160xi32, #tpu.memory_space<hbm>>
        %dma_start3A_148 = tpu.memref_slice %arg13[%select_n3A_107] : memref<2x!tpu.dma_semaphore, #tpu.memory_space<semaphore_mem>> -> memref<1x!tpu.dma_semaphore, #tpu.memory_space<semaphore_mem>>
        %dma_start3A_149 = tpu.memref_squeeze %dma_start3A_148 : memref<1x!tpu.dma_semaphore, #tpu.memory_space<semaphore_mem>> -> memref<!tpu.dma_semaphore, #tpu.memory_space<semaphore_mem>>
        %dma_start3A_150 = tpu.memref_slice %arg7[%mul3A_145] : memref<320xi32, #tpu.memory_space<vmem>> -> memref<160xi32, #tpu.memory_space<vmem>>
        %dma_start3A_151 = tpu.memref_slice %arg4[%mul3A_141] : memref<640000xi32, #tpu.memory_space<hbm>> -> memref<160xi32, #tpu.memory_space<hbm>>
        tpu.enqueue_dma source(%dma_start3A_151 : memref<160xi32, #tpu.memory_space<hbm>>) target(%dma_start3A_150 : memref<160xi32, #tpu.memory_space<vmem>>) target_semaphore(%dma_start3A_149 : memref<!tpu.dma_semaphore, #tpu.memory_space<semaphore_mem>>)
      } else {
      }
      %lt3A_122 = arith.constant 125 : i32
      %lt3A_123 = arith.cmpi slt, %add3A_96, %lt3A_122 : i32
      %convert_element_type3A_124 = arith.extui %lt3A_123 : i1 to i32
      %cond3A_125 = arith.constant 0 : i32
      %cond3A_126 = arith.cmpi ne, %convert_element_type3A_124, %cond3A_125 : i32
      scf.if %cond3A_126 {
        %jit3A_135 = arith.constant 2 : i32
        %eq3A_136 = arith.constant 0 : i32
        %eq3A_137 = arith.cmpi eq, %jit3A_135, %eq3A_136 : i32
        %jit3A_138 = arith.constant 1 : i32
        %select_n3A_139 = arith.select %eq3A_137, %jit3A_138, %jit3A_135 : i32
        %rem3A_140 = arith.remsi %add3A_96, %select_n3A_139 : i32
        %ne3A_141 = arith.constant 0 : i32
        %ne3A_142 = arith.cmpi ne, %rem3A_140, %ne3A_141 : i32
        %lt3A_143 = arith.constant 0 : i32
        %lt3A_144 = arith.cmpi slt, %rem3A_140, %lt3A_143 : i32
        %lt3A_145 = arith.constant 0 : i32
        %lt3A_146 = arith.cmpi slt, %select_n3A_139, %lt3A_145 : i32
        %ne3A_147 = arith.xori %lt3A_144, %lt3A_146 : i1
        %and3A_148 = arith.andi %ne3A_147, %ne3A_142 : i1
        %add3A_149 = arith.addi %rem3A_140, %select_n3A_139 : i32
        %select_n3A_150 = arith.select %and3A_148, %add3A_149, %rem3A_140 : i32
        %ge3A_151 = arith.constant 2 : i32
        %ge3A_152 = arith.cmpi sge, %add3A_96, %ge3A_151 : i32
        %convert_element_type3A_153 = arith.extui %ge3A_152 : i1 to i32
        %cond3A_154 = arith.constant 0 : i32
        %cond3A_155 = arith.cmpi ne, %convert_element_type3A_153, %cond3A_154 : i32
        scf.if %cond3A_155 {
          %dma_wait3A_202 = arith.constant 0 : i32
          %dma_wait3A_203 = arith.constant 0 : i32
          %dma_wait3A_204 = tpu.memref_slice %arg9[%select_n3A_150, %dma_wait3A_202, %dma_wait3A_203] : memref<2x80x128xf32, #tpu.memory_space<vmem>> -> memref<1x80x128xf32, #tpu.memory_space<vmem>>
          %dma_wait3A_205 = tpu.memref_squeeze %dma_wait3A_204 : memref<1x80x128xf32, #tpu.memory_space<vmem>> -> memref<80x128xf32, #tpu.memory_space<vmem>>
          %dma_wait3A_206 = arith.constant 0 : i32
          %dma_wait3A_207 = tpu.memref_slice %arg8[%select_n3A_150, %dma_wait3A_206] : memref<2x80xi32, #tpu.memory_space<vmem>> -> memref<1x80xi32, #tpu.memory_space<vmem>>
          %dma_wait3A_208 = tpu.memref_squeeze %dma_wait3A_207 : memref<1x80xi32, #tpu.memory_space<vmem>> -> memref<80xi32, #tpu.memory_space<vmem>>
          %dma_wait3A_209 = arith.constant 0 : i32
          %dma_wait3A_210 = arith.constant 0 : i32
          %dma_wait3A_211 = tpu.memref_slice %arg6[%dma_wait3A_209, %dma_wait3A_210] : memref<10000x128xf32, #tpu.memory_space<vmem_shared>> -> memref<10000x128xf32, #tpu.memory_space<vmem_shared>>
          %dma_wait3A_212 = tpu.memref_slice %arg14[%select_n3A_150] : memref<2x!tpu.dma_semaphore, #tpu.memory_space<semaphore_mem>> -> memref<1x!tpu.dma_semaphore, #tpu.memory_space<semaphore_mem>>
          %dma_wait3A_213 = tpu.memref_squeeze %dma_wait3A_212 : memref<1x!tpu.dma_semaphore, #tpu.memory_space<semaphore_mem>> -> memref<!tpu.dma_semaphore, #tpu.memory_space<semaphore_mem>>
          tpu.wait_indirect_dma semaphore(%dma_wait3A_213 : memref<!tpu.dma_semaphore, #tpu.memory_space<semaphore_mem>>) src(%dma_wait3A_205 : memref<80x128xf32, #tpu.memory_space<vmem>>) dst(%dma_wait3A_211 : memref<10000x128xf32, #tpu.memory_space<vmem_shared>>)
        } else {
        }
        %add3A_156 = arith.addi %add3A_4, %add3A_96 : i32
        %mul3A_157 = arith.constant 2 : i32
        %mul3A_158 = arith.muli %add3A_156, %mul3A_157 : i32
        %mul3A_159 = arith.constant 80 : i32
        %mul3A_160 = arith.muli %mul3A_158, %mul3A_159 : i32
        %mul3A_161 = arith.constant 2 : i32
        %mul3A_162 = arith.muli %select_n3A_150, %mul3A_161 : i32
        %mul3A_163 = arith.constant 80 : i32
        %mul3A_164 = arith.muli %mul3A_162, %mul3A_163 : i32
        %dma_wait3A_165 = tpu.memref_slice %arg7[%mul3A_164] : memref<320xi32, #tpu.memory_space<vmem>> -> memref<160xi32, #tpu.memory_space<vmem>>
        %dma_wait3A_166 = tpu.memref_slice %arg4[%mul3A_160] : memref<640000xi32, #tpu.memory_space<hbm>> -> memref<160xi32, #tpu.memory_space<hbm>>
        %dma_wait3A_167 = tpu.memref_slice %arg13[%select_n3A_150] : memref<2x!tpu.dma_semaphore, #tpu.memory_space<semaphore_mem>> -> memref<1x!tpu.dma_semaphore, #tpu.memory_space<semaphore_mem>>
        %dma_wait3A_168 = tpu.memref_squeeze %dma_wait3A_167 : memref<1x!tpu.dma_semaphore, #tpu.memory_space<semaphore_mem>> -> memref<!tpu.dma_semaphore, #tpu.memory_space<semaphore_mem>>
        %dma_wait3A_169 = tpu.memref_slice %arg7[%mul3A_164] : memref<320xi32, #tpu.memory_space<vmem>> -> memref<160xi32, #tpu.memory_space<vmem>>
        %dma_wait3A_170 = tpu.memref_slice %arg4[%mul3A_160] : memref<640000xi32, #tpu.memory_space<hbm>> -> memref<160xi32, #tpu.memory_space<hbm>>
        tpu.wait_dma2 semaphore(%dma_wait3A_168 : memref<!tpu.dma_semaphore, #tpu.memory_space<semaphore_mem>>) src(%dma_wait3A_170 : memref<160xi32, #tpu.memory_space<hbm>>) dst(%dma_wait3A_169 : memref<160xi32, #tpu.memory_space<vmem>>)
        %mul3A_171 = arith.constant 2 : i32
        %mul3A_172 = arith.muli %select_n3A_150, %mul3A_171 : i32
        %mul3A_173 = arith.constant 80 : i32
        %mul3A_174 = arith.muli %mul3A_172, %mul3A_173 : i32
        %dma_start3A_175 = arith.constant 0 : i32
        %dma_start3A_176 = arith.constant 0 : i32
        %dma_start3A_177 = tpu.memref_slice %arg9[%select_n3A_150, %dma_start3A_175, %dma_start3A_176] : memref<2x80x128xf32, #tpu.memory_space<vmem>> -> memref<1x80x128xf32, #tpu.memory_space<vmem>>
        %dma_start3A_178 = tpu.memref_squeeze %dma_start3A_177 : memref<1x80x128xf32, #tpu.memory_space<vmem>> -> memref<80x128xf32, #tpu.memory_space<vmem>>
        %dma_start3A_179 = tpu.memref_slice %arg7[%mul3A_174] : memref<320xi32, #tpu.memory_space<vmem>> -> memref<80xi32, #tpu.memory_space<vmem>>
        %dma_start3A_180 = arith.constant 0 : i32
        %dma_start3A_181 = arith.constant 0 : i32
        %dma_start3A_182 = tpu.memref_slice %arg2[%dma_start3A_180, %dma_start3A_181] : memref<10000x128xf32, #tpu.memory_space<hbm>> -> memref<10000x128xf32, #tpu.memory_space<hbm>>
        %dma_start3A_183 = tpu.memref_slice %arg11[%select_n3A_150] : memref<2x!tpu.dma_semaphore, #tpu.memory_space<semaphore_mem>> -> memref<1x!tpu.dma_semaphore, #tpu.memory_space<semaphore_mem>>
        %dma_start3A_184 = tpu.memref_squeeze %dma_start3A_183 : memref<1x!tpu.dma_semaphore, #tpu.memory_space<semaphore_mem>> -> memref<!tpu.dma_semaphore, #tpu.memory_space<semaphore_mem>>
        tpu.enqueue_indirect_dma source(%dma_start3A_182 : memref<10000x128xf32, #tpu.memory_space<hbm>>) target(%dma_start3A_178 : memref<80x128xf32, #tpu.memory_space<vmem>>) offsets(%dma_start3A_179 : memref<80xi32, #tpu.memory_space<vmem>>) semaphore(%dma_start3A_184 : memref<!tpu.dma_semaphore, #tpu.memory_space<semaphore_mem>>)
        %add3A_185 = arith.addi %add3A_4, %add3A_96 : i32
        %mul3A_186 = arith.constant 80 : i32
        %mul3A_187 = arith.muli %add3A_185, %mul3A_186 : i32
        %dma_start3A_188 = arith.constant 0 : i32
        %dma_start3A_189 = arith.constant 0 : i32
        %dma_start3A_190 = tpu.memref_slice %arg10[%select_n3A_150, %dma_start3A_188, %dma_start3A_189] : memref<2x80x128xf32, #tpu.memory_space<vmem>> -> memref<1x80x128xf32, #tpu.memory_space<vmem>>
        %dma_start3A_191 = tpu.memref_squeeze %dma_start3A_190 : memref<1x80x128xf32, #tpu.memory_space<vmem>> -> memref<80x128xf32, #tpu.memory_space<vmem>>
        %dma_start3A_192 = arith.constant 0 : i32
        %dma_start3A_193 = tpu.memref_slice %arg3[%mul3A_187, %dma_start3A_192] : memref<320000x128xf32, #tpu.memory_space<hbm>> -> memref<80x128xf32, #tpu.memory_space<hbm>>
        %dma_start3A_194 = tpu.memref_slice %arg12[%select_n3A_150] : memref<2x!tpu.dma_semaphore, #tpu.memory_space<semaphore_mem>> -> memref<1x!tpu.dma_semaphore, #tpu.memory_space<semaphore_mem>>
        %dma_start3A_195 = tpu.memref_squeeze %dma_start3A_194 : memref<1x!tpu.dma_semaphore, #tpu.memory_space<semaphore_mem>> -> memref<!tpu.dma_semaphore, #tpu.memory_space<semaphore_mem>>
        %dma_start3A_196 = arith.constant 0 : i32
        %dma_start3A_197 = arith.constant 0 : i32
        %dma_start3A_198 = tpu.memref_slice %arg10[%select_n3A_150, %dma_start3A_196, %dma_start3A_197] : memref<2x80x128xf32, #tpu.memory_space<vmem>> -> memref<1x80x128xf32, #tpu.memory_space<vmem>>
        %dma_start3A_199 = tpu.memref_squeeze %dma_start3A_198 : memref<1x80x128xf32, #tpu.memory_space<vmem>> -> memref<80x128xf32, #tpu.memory_space<vmem>>
        %dma_start3A_200 = arith.constant 0 : i32
        %dma_start3A_201 = tpu.memref_slice %arg3[%mul3A_187, %dma_start3A_200] : memref<320000x128xf32, #tpu.memory_space<hbm>> -> memref<80x128xf32, #tpu.memory_space<hbm>>
        tpu.enqueue_dma source(%dma_start3A_201 : memref<80x128xf32, #tpu.memory_space<hbm>>) target(%dma_start3A_199 : memref<80x128xf32, #tpu.memory_space<vmem>>) target_semaphore(%dma_start3A_195 : memref<!tpu.dma_semaphore, #tpu.memory_space<semaphore_mem>>)
      } else {
      }
      %ge3A_127 = arith.constant 1 : i32
      %ge3A_128 = arith.cmpi sge, %add3A_96, %ge3A_127 : i32
      %lt3A_129 = arith.constant 125 : i32
      %lt3A_130 = arith.cmpi slt, %sub3A_97, %lt3A_129 : i32
      %and3A_131 = arith.andi %ge3A_128, %lt3A_130 : i1
      %convert_element_type3A_132 = arith.extui %and3A_131 : i1 to i32
      %cond3A_133 = arith.constant 0 : i32
      %cond3A_134 = arith.cmpi ne, %convert_element_type3A_132, %cond3A_133 : i32
      scf.if %cond3A_134 {
        %scan3A_135 = arith.constant 0 : i32
        %scan3A_136 = arith.constant 40 : i32
        %scan3A_137 = arith.addi %scan3A_135, %scan3A_136 : i32
        %scan3A_138 = arith.constant 1 : i32
        scf.for %scan3A_152 = %scan3A_135 to %scan3A_137 step %scan3A_138  : i32 {
          %mul3A_153 = arith.constant 2 : i32
          %mul3A_154 = arith.muli %scan3A_152, %mul3A_153 : i32
          %add3A_155 = arith.constant 0 : i32
          %add3A_156 = arith.addi %add3A_155, %mul3A_154 : i32
          %add3A_157 = arith.constant 0 : i32
          %add3A_158 = arith.addi %add3A_156, %add3A_157 : i32
          %add3A_159 = arith.constant 0 : i32
          %add3A_160 = arith.addi %add3A_156, %add3A_159 : i32
          %add3A_161 = arith.constant 0 : i32
          %add3A_162 = arith.addi %add3A_156, %add3A_161 : i32
          %add3A_163 = arith.constant 0 : i32
          %add3A_164 = arith.addi %add3A_156, %add3A_163 : i32
          %add3A_165 = arith.constant 0 : i32
          %add3A_166 = arith.addi %add3A_156, %add3A_165 : i32
          %add3A_167 = arith.constant 0 : i32
          %add3A_168 = arith.addi %add3A_156, %add3A_167 : i32
          %add3A_169 = arith.constant 0 : i32
          %add3A_170 = arith.addi %add3A_156, %add3A_169 : i32
          %add3A_171 = arith.constant 0 : i32
          %add3A_172 = arith.addi %add3A_156, %add3A_171 : i32
          %add3A_173 = arith.constant 1 : i32
          %add3A_174 = arith.addi %add3A_156, %add3A_173 : i32
          %add3A_175 = arith.constant 1 : i32
          %add3A_176 = arith.addi %add3A_156, %add3A_175 : i32
          %add3A_177 = arith.constant 1 : i32
          %add3A_178 = arith.addi %add3A_156, %add3A_177 : i32
          %add3A_179 = arith.constant 1 : i32
          %add3A_180 = arith.addi %add3A_156, %add3A_179 : i32
          %add3A_181 = arith.constant 1 : i32
          %add3A_182 = arith.addi %add3A_156, %add3A_181 : i32
          %add3A_183 = arith.constant 1 : i32
          %add3A_184 = arith.addi %add3A_156, %add3A_183 : i32
          %add3A_185 = arith.constant 1 : i32
          %add3A_186 = arith.addi %add3A_156, %add3A_185 : i32
          %add3A_187 = arith.constant 1 : i32
          %add3A_188 = arith.addi %add3A_156, %add3A_187 : i32
          %get3A = arith.constant 0 : i32
          %get3A_189 = arith.constant 0 : i32
          %get3A_190 = tpu.memref_slice %arg9[%select_n3A_107, %get3A, %get3A_189] : memref<2x80x128xf32, #tpu.memory_space<vmem>> -> memref<1x80x128xf32, #tpu.memory_space<vmem>>
          %get3A_191 = tpu.memref_squeeze %get3A_190 : memref<1x80x128xf32, #tpu.memory_space<vmem>> -> memref<80x128xf32, #tpu.memory_space<vmem>>
          %get3A_192 = arith.index_cast %add3A_158 : i32 to index
          %get3A_193 = arith.constant 0 : index
          %get3A_194 = tpu.vector_load %get3A_191[%get3A_192, %get3A_193] {strides = array<i32>} : memref<80x128xf32, #tpu.memory_space<vmem>>, vector<1x16xf32>,
          %get3A_195 = vector.shape_cast %get3A_194 : vector<1x16xf32> to vector<16xf32>
          %get3A_196 = arith.constant 0 : i32
          %get3A_197 = arith.constant 0 : i32
          %get3A_198 = tpu.memref_slice %arg9[%select_n3A_107, %get3A_196, %get3A_197] : memref<2x80x128xf32, #tpu.memory_space<vmem>> -> memref<1x80x128xf32, #tpu.memory_space<vmem>>
          %get3A_199 = tpu.memref_squeeze %get3A_198 : memref<1x80x128xf32, #tpu.memory_space<vmem>> -> memref<80x128xf32, #tpu.memory_space<vmem>>
          %get3A_200 = arith.index_cast %add3A_160 : i32 to index
          %get3A_201 = arith.constant 16 : index
          %get3A_202 = tpu.vector_load %get3A_199[%get3A_200, %get3A_201] {strides = array<i32>} : memref<80x128xf32, #tpu.memory_space<vmem>>, vector<1x16xf32>,
          %get3A_203 = vector.shape_cast %get3A_202 : vector<1x16xf32> to vector<16xf32>
          %get3A_204 = arith.constant 0 : i32
          %get3A_205 = arith.constant 0 : i32
          %get3A_206 = tpu.memref_slice %arg9[%select_n3A_107, %get3A_204, %get3A_205] : memref<2x80x128xf32, #tpu.memory_space<vmem>> -> memref<1x80x128xf32, #tpu.memory_space<vmem>>
          %get3A_207 = tpu.memref_squeeze %get3A_206 : memref<1x80x128xf32, #tpu.memory_space<vmem>> -> memref<80x128xf32, #tpu.memory_space<vmem>>
          %get3A_208 = arith.index_cast %add3A_162 : i32 to index
          %get3A_209 = arith.constant 32 : index
          %get3A_210 = tpu.vector_load %get3A_207[%get3A_208, %get3A_209] {strides = array<i32>} : memref<80x128xf32, #tpu.memory_space<vmem>>, vector<1x16xf32>,
          %get3A_211 = vector.shape_cast %get3A_210 : vector<1x16xf32> to vector<16xf32>
          %get3A_212 = arith.constant 0 : i32
          %get3A_213 = arith.constant 0 : i32
          %get3A_214 = tpu.memref_slice %arg9[%select_n3A_107, %get3A_212, %get3A_213] : memref<2x80x128xf32, #tpu.memory_space<vmem>> -> memref<1x80x128xf32, #tpu.memory_space<vmem>>
          %get3A_215 = tpu.memref_squeeze %get3A_214 : memref<1x80x128xf32, #tpu.memory_space<vmem>> -> memref<80x128xf32, #tpu.memory_space<vmem>>
          %get3A_216 = arith.index_cast %add3A_164 : i32 to index
          %get3A_217 = arith.constant 48 : index
          %get3A_218 = tpu.vector_load %get3A_215[%get3A_216, %get3A_217] {strides = array<i32>} : memref<80x128xf32, #tpu.memory_space<vmem>>, vector<1x16xf32>,
          %get3A_219 = vector.shape_cast %get3A_218 : vector<1x16xf32> to vector<16xf32>
          %get3A_220 = arith.constant 0 : i32
          %get3A_221 = arith.constant 0 : i32
          %get3A_222 = tpu.memref_slice %arg9[%select_n3A_107, %get3A_220, %get3A_221] : memref<2x80x128xf32, #tpu.memory_space<vmem>> -> memref<1x80x128xf32, #tpu.memory_space<vmem>>
          %get3A_223 = tpu.memref_squeeze %get3A_222 : memref<1x80x128xf32, #tpu.memory_space<vmem>> -> memref<80x128xf32, #tpu.memory_space<vmem>>
          %get3A_224 = arith.index_cast %add3A_166 : i32 to index
          %get3A_225 = arith.constant 64 : index
          %get3A_226 = tpu.vector_load %get3A_223[%get3A_224, %get3A_225] {strides = array<i32>} : memref<80x128xf32, #tpu.memory_space<vmem>>, vector<1x16xf32>,
          %get3A_227 = vector.shape_cast %get3A_226 : vector<1x16xf32> to vector<16xf32>
          %get3A_228 = arith.constant 0 : i32
          %get3A_229 = arith.constant 0 : i32
          %get3A_230 = tpu.memref_slice %arg9[%select_n3A_107, %get3A_228, %get3A_229] : memref<2x80x128xf32, #tpu.memory_space<vmem>> -> memref<1x80x128xf32, #tpu.memory_space<vmem>>
          %get3A_231 = tpu.memref_squeeze %get3A_230 : memref<1x80x128xf32, #tpu.memory_space<vmem>> -> memref<80x128xf32, #tpu.memory_space<vmem>>
          %get3A_232 = arith.index_cast %add3A_168 : i32 to index
          %get3A_233 = arith.constant 80 : index
          %get3A_234 = tpu.vector_load %get3A_231[%get3A_232, %get3A_233] {strides = array<i32>} : memref<80x128xf32, #tpu.memory_space<vmem>>, vector<1x16xf32>,
          %get3A_235 = vector.shape_cast %get3A_234 : vector<1x16xf32> to vector<16xf32>
          %get3A_236 = arith.constant 0 : i32
          %get3A_237 = arith.constant 0 : i32
          %get3A_238 = tpu.memref_slice %arg9[%select_n3A_107, %get3A_236, %get3A_237] : memref<2x80x128xf32, #tpu.memory_space<vmem>> -> memref<1x80x128xf32, #tpu.memory_space<vmem>>
          %get3A_239 = tpu.memref_squeeze %get3A_238 : memref<1x80x128xf32, #tpu.memory_space<vmem>> -> memref<80x128xf32, #tpu.memory_space<vmem>>
          %get3A_240 = arith.index_cast %add3A_170 : i32 to index
          %get3A_241 = arith.constant 96 : index
          %get3A_242 = tpu.vector_load %get3A_239[%get3A_240, %get3A_241] {strides = array<i32>} : memref<80x128xf32, #tpu.memory_space<vmem>>, vector<1x16xf32>,
          %get3A_243 = vector.shape_cast %get3A_242 : vector<1x16xf32> to vector<16xf32>
          %get3A_244 = arith.constant 0 : i32
          %get3A_245 = arith.constant 0 : i32
          %get3A_246 = tpu.memref_slice %arg9[%select_n3A_107, %get3A_244, %get3A_245] : memref<2x80x128xf32, #tpu.memory_space<vmem>> -> memref<1x80x128xf32, #tpu.memory_space<vmem>>
          %get3A_247 = tpu.memref_squeeze %get3A_246 : memref<1x80x128xf32, #tpu.memory_space<vmem>> -> memref<80x128xf32, #tpu.memory_space<vmem>>
          %get3A_248 = arith.index_cast %add3A_172 : i32 to index
          %get3A_249 = arith.constant 112 : index
          %get3A_250 = tpu.vector_load %get3A_247[%get3A_248, %get3A_249] {strides = array<i32>} : memref<80x128xf32, #tpu.memory_space<vmem>>, vector<1x16xf32>,
          %get3A_251 = vector.shape_cast %get3A_250 : vector<1x16xf32> to vector<16xf32>
          %get3A_252 = arith.constant 0 : i32
          %get3A_253 = arith.constant 0 : i32
          %get3A_254 = tpu.memref_slice %arg9[%select_n3A_107, %get3A_252, %get3A_253] : memref<2x80x128xf32, #tpu.memory_space<vmem>> -> memref<1x80x128xf32, #tpu.memory_space<vmem>>
          %get3A_255 = tpu.memref_squeeze %get3A_254 : memref<1x80x128xf32, #tpu.memory_space<vmem>> -> memref<80x128xf32, #tpu.memory_space<vmem>>
          %get3A_256 = arith.index_cast %add3A_174 : i32 to index
          %get3A_257 = arith.constant 0 : index
          %get3A_258 = tpu.vector_load %get3A_255[%get3A_256, %get3A_257] {strides = array<i32>} : memref<80x128xf32, #tpu.memory_space<vmem>>, vector<1x16xf32>,
          %get3A_259 = vector.shape_cast %get3A_258 : vector<1x16xf32> to vector<16xf32>
          %get3A_260 = arith.constant 0 : i32
          %get3A_261 = arith.constant 0 : i32
          %get3A_262 = tpu.memref_slice %arg9[%select_n3A_107, %get3A_260, %get3A_261] : memref<2x80x128xf32, #tpu.memory_space<vmem>> -> memref<1x80x128xf32, #tpu.memory_space<vmem>>
          %get3A_263 = tpu.memref_squeeze %get3A_262 : memref<1x80x128xf32, #tpu.memory_space<vmem>> -> memref<80x128xf32, #tpu.memory_space<vmem>>
          %get3A_264 = arith.index_cast %add3A_176 : i32 to index
          %get3A_265 = arith.constant 16 : index
          %get3A_266 = tpu.vector_load %get3A_263[%get3A_264, %get3A_265] {strides = array<i32>} : memref<80x128xf32, #tpu.memory_space<vmem>>, vector<1x16xf32>,
          %get3A_267 = vector.shape_cast %get3A_266 : vector<1x16xf32> to vector<16xf32>
          %get3A_268 = arith.constant 0 : i32
          %get3A_269 = arith.constant 0 : i32
          %get3A_270 = tpu.memref_slice %arg9[%select_n3A_107, %get3A_268, %get3A_269] : memref<2x80x128xf32, #tpu.memory_space<vmem>> -> memref<1x80x128xf32, #tpu.memory_space<vmem>>
          %get3A_271 = tpu.memref_squeeze %get3A_270 : memref<1x80x128xf32, #tpu.memory_space<vmem>> -> memref<80x128xf32, #tpu.memory_space<vmem>>
          %get3A_272 = arith.index_cast %add3A_178 : i32 to index
          %get3A_273 = arith.constant 32 : index
          %get3A_274 = tpu.vector_load %get3A_271[%get3A_272, %get3A_273] {strides = array<i32>} : memref<80x128xf32, #tpu.memory_space<vmem>>, vector<1x16xf32>,
          %get3A_275 = vector.shape_cast %get3A_274 : vector<1x16xf32> to vector<16xf32>
          %get3A_276 = arith.constant 0 : i32
          %get3A_277 = arith.constant 0 : i32
          %get3A_278 = tpu.memref_slice %arg9[%select_n3A_107, %get3A_276, %get3A_277] : memref<2x80x128xf32, #tpu.memory_space<vmem>> -> memref<1x80x128xf32, #tpu.memory_space<vmem>>
          %get3A_279 = tpu.memref_squeeze %get3A_278 : memref<1x80x128xf32, #tpu.memory_space<vmem>> -> memref<80x128xf32, #tpu.memory_space<vmem>>
          %get3A_280 = arith.index_cast %add3A_180 : i32 to index
          %get3A_281 = arith.constant 48 : index
          %get3A_282 = tpu.vector_load %get3A_279[%get3A_280, %get3A_281] {strides = array<i32>} : memref<80x128xf32, #tpu.memory_space<vmem>>, vector<1x16xf32>,
          %get3A_283 = vector.shape_cast %get3A_282 : vector<1x16xf32> to vector<16xf32>
          %get3A_284 = arith.constant 0 : i32
          %get3A_285 = arith.constant 0 : i32
          %get3A_286 = tpu.memref_slice %arg9[%select_n3A_107, %get3A_284, %get3A_285] : memref<2x80x128xf32, #tpu.memory_space<vmem>> -> memref<1x80x128xf32, #tpu.memory_space<vmem>>
          %get3A_287 = tpu.memref_squeeze %get3A_286 : memref<1x80x128xf32, #tpu.memory_space<vmem>> -> memref<80x128xf32, #tpu.memory_space<vmem>>
          %get3A_288 = arith.index_cast %add3A_182 : i32 to index
          %get3A_289 = arith.constant 64 : index
          %get3A_290 = tpu.vector_load %get3A_287[%get3A_288, %get3A_289] {strides = array<i32>} : memref<80x128xf32, #tpu.memory_space<vmem>>, vector<1x16xf32>,
          %get3A_291 = vector.shape_cast %get3A_290 : vector<1x16xf32> to vector<16xf32>
          %get3A_292 = arith.constant 0 : i32
          %get3A_293 = arith.constant 0 : i32
          %get3A_294 = tpu.memref_slice %arg9[%select_n3A_107, %get3A_292, %get3A_293] : memref<2x80x128xf32, #tpu.memory_space<vmem>> -> memref<1x80x128xf32, #tpu.memory_space<vmem>>
          %get3A_295 = tpu.memref_squeeze %get3A_294 : memref<1x80x128xf32, #tpu.memory_space<vmem>> -> memref<80x128xf32, #tpu.memory_space<vmem>>
          %get3A_296 = arith.index_cast %add3A_184 : i32 to index
          %get3A_297 = arith.constant 80 : index
          %get3A_298 = tpu.vector_load %get3A_295[%get3A_296, %get3A_297] {strides = array<i32>} : memref<80x128xf32, #tpu.memory_space<vmem>>, vector<1x16xf32>,
          %get3A_299 = vector.shape_cast %get3A_298 : vector<1x16xf32> to vector<16xf32>
          %get3A_300 = arith.constant 0 : i32
          %get3A_301 = arith.constant 0 : i32
          %get3A_302 = tpu.memref_slice %arg9[%select_n3A_107, %get3A_300, %get3A_301] : memref<2x80x128xf32, #tpu.memory_space<vmem>> -> memref<1x80x128xf32, #tpu.memory_space<vmem>>
          %get3A_303 = tpu.memref_squeeze %get3A_302 : memref<1x80x128xf32, #tpu.memory_space<vmem>> -> memref<80x128xf32, #tpu.memory_space<vmem>>
          %get3A_304 = arith.index_cast %add3A_186 : i32 to index
          %get3A_305 = arith.constant 96 : index
          %get3A_306 = tpu.vector_load %get3A_303[%get3A_304, %get3A_305] {strides = array<i32>} : memref<80x128xf32, #tpu.memory_space<vmem>>, vector<1x16xf32>,
          %get3A_307 = vector.shape_cast %get3A_306 : vector<1x16xf32> to vector<16xf32>
          %get3A_308 = arith.constant 0 : i32
          %get3A_309 = arith.constant 0 : i32
          %get3A_310 = tpu.memref_slice %arg9[%select_n3A_107, %get3A_308, %get3A_309] : memref<2x80x128xf32, #tpu.memory_space<vmem>> -> memref<1x80x128xf32, #tpu.memory_space<vmem>>
          %get3A_311 = tpu.memref_squeeze %get3A_310 : memref<1x80x128xf32, #tpu.memory_space<vmem>> -> memref<80x128xf32, #tpu.memory_space<vmem>>
          %get3A_312 = arith.index_cast %add3A_188 : i32 to index
          %get3A_313 = arith.constant 112 : index
          %get3A_314 = tpu.vector_load %get3A_311[%get3A_312, %get3A_313] {strides = array<i32>} : memref<80x128xf32, #tpu.memory_space<vmem>>, vector<1x16xf32>,
          %get3A_315 = vector.shape_cast %get3A_314 : vector<1x16xf32> to vector<16xf32>
          %get3A_316 = arith.constant 0 : i32
          %get3A_317 = arith.constant 0 : i32
          %get3A_318 = tpu.memref_slice %arg10[%select_n3A_107, %get3A_316, %get3A_317] : memref<2x80x128xf32, #tpu.memory_space<vmem>> -> memref<1x80x128xf32, #tpu.memory_space<vmem>>
          %get3A_319 = tpu.memref_squeeze %get3A_318 : memref<1x80x128xf32, #tpu.memory_space<vmem>> -> memref<80x128xf32, #tpu.memory_space<vmem>>
          %get3A_320 = arith.index_cast %add3A_158 : i32 to index
          %get3A_321 = arith.constant 0 : index
          %get3A_322 = tpu.vector_load %get3A_319[%get3A_320, %get3A_321] {strides = array<i32>} : memref<80x128xf32, #tpu.memory_space<vmem>>, vector<1x16xf32>,
          %get3A_323 = vector.shape_cast %get3A_322 : vector<1x16xf32> to vector<16xf32>
          %get3A_324 = arith.constant 0 : i32
          %get3A_325 = arith.constant 0 : i32
          %get3A_326 = tpu.memref_slice %arg10[%select_n3A_107, %get3A_324, %get3A_325] : memref<2x80x128xf32, #tpu.memory_space<vmem>> -> memref<1x80x128xf32, #tpu.memory_space<vmem>>
          %get3A_327 = tpu.memref_squeeze %get3A_326 : memref<1x80x128xf32, #tpu.memory_space<vmem>> -> memref<80x128xf32, #tpu.memory_space<vmem>>
          %get3A_328 = arith.index_cast %add3A_160 : i32 to index
          %get3A_329 = arith.constant 16 : index
          %get3A_330 = tpu.vector_load %get3A_327[%get3A_328, %get3A_329] {strides = array<i32>} : memref<80x128xf32, #tpu.memory_space<vmem>>, vector<1x16xf32>,
          %get3A_331 = vector.shape_cast %get3A_330 : vector<1x16xf32> to vector<16xf32>
          %get3A_332 = arith.constant 0 : i32
          %get3A_333 = arith.constant 0 : i32
          %get3A_334 = tpu.memref_slice %arg10[%select_n3A_107, %get3A_332, %get3A_333] : memref<2x80x128xf32, #tpu.memory_space<vmem>> -> memref<1x80x128xf32, #tpu.memory_space<vmem>>
          %get3A_335 = tpu.memref_squeeze %get3A_334 : memref<1x80x128xf32, #tpu.memory_space<vmem>> -> memref<80x128xf32, #tpu.memory_space<vmem>>
          %get3A_336 = arith.index_cast %add3A_162 : i32 to index
          %get3A_337 = arith.constant 32 : index
          %get3A_338 = tpu.vector_load %get3A_335[%get3A_336, %get3A_337] {strides = array<i32>} : memref<80x128xf32, #tpu.memory_space<vmem>>, vector<1x16xf32>,
          %get3A_339 = vector.shape_cast %get3A_338 : vector<1x16xf32> to vector<16xf32>
          %get3A_340 = arith.constant 0 : i32
          %get3A_341 = arith.constant 0 : i32
          %get3A_342 = tpu.memref_slice %arg10[%select_n3A_107, %get3A_340, %get3A_341] : memref<2x80x128xf32, #tpu.memory_space<vmem>> -> memref<1x80x128xf32, #tpu.memory_space<vmem>>
          %get3A_343 = tpu.memref_squeeze %get3A_342 : memref<1x80x128xf32, #tpu.memory_space<vmem>> -> memref<80x128xf32, #tpu.memory_space<vmem>>
          %get3A_344 = arith.index_cast %add3A_164 : i32 to index
          %get3A_345 = arith.constant 48 : index
          %get3A_346 = tpu.vector_load %get3A_343[%get3A_344, %get3A_345] {strides = array<i32>} : memref<80x128xf32, #tpu.memory_space<vmem>>, vector<1x16xf32>,
          %get3A_347 = vector.shape_cast %get3A_346 : vector<1x16xf32> to vector<16xf32>
          %get3A_348 = arith.constant 0 : i32
          %get3A_349 = arith.constant 0 : i32
          %get3A_350 = tpu.memref_slice %arg10[%select_n3A_107, %get3A_348, %get3A_349] : memref<2x80x128xf32, #tpu.memory_space<vmem>> -> memref<1x80x128xf32, #tpu.memory_space<vmem>>
          %get3A_351 = tpu.memref_squeeze %get3A_350 : memref<1x80x128xf32, #tpu.memory_space<vmem>> -> memref<80x128xf32, #tpu.memory_space<vmem>>
          %get3A_352 = arith.index_cast %add3A_166 : i32 to index
          %get3A_353 = arith.constant 64 : index
          %get3A_354 = tpu.vector_load %get3A_351[%get3A_352, %get3A_353] {strides = array<i32>} : memref<80x128xf32, #tpu.memory_space<vmem>>, vector<1x16xf32>,
          %get3A_355 = vector.shape_cast %get3A_354 : vector<1x16xf32> to vector<16xf32>
          %get3A_356 = arith.constant 0 : i32
          %get3A_357 = arith.constant 0 : i32
          %get3A_358 = tpu.memref_slice %arg10[%select_n3A_107, %get3A_356, %get3A_357] : memref<2x80x128xf32, #tpu.memory_space<vmem>> -> memref<1x80x128xf32, #tpu.memory_space<vmem>>
          %get3A_359 = tpu.memref_squeeze %get3A_358 : memref<1x80x128xf32, #tpu.memory_space<vmem>> -> memref<80x128xf32, #tpu.memory_space<vmem>>
          %get3A_360 = arith.index_cast %add3A_168 : i32 to index
          %get3A_361 = arith.constant 80 : index
          %get3A_362 = tpu.vector_load %get3A_359[%get3A_360, %get3A_361] {strides = array<i32>} : memref<80x128xf32, #tpu.memory_space<vmem>>, vector<1x16xf32>,
          %get3A_363 = vector.shape_cast %get3A_362 : vector<1x16xf32> to vector<16xf32>
          %get3A_364 = arith.constant 0 : i32
          %get3A_365 = arith.constant 0 : i32
          %get3A_366 = tpu.memref_slice %arg10[%select_n3A_107, %get3A_364, %get3A_365] : memref<2x80x128xf32, #tpu.memory_space<vmem>> -> memref<1x80x128xf32, #tpu.memory_space<vmem>>
          %get3A_367 = tpu.memref_squeeze %get3A_366 : memref<1x80x128xf32, #tpu.memory_space<vmem>> -> memref<80x128xf32, #tpu.memory_space<vmem>>
          %get3A_368 = arith.index_cast %add3A_170 : i32 to index
          %get3A_369 = arith.constant 96 : index
          %get3A_370 = tpu.vector_load %get3A_367[%get3A_368, %get3A_369] {strides = array<i32>} : memref<80x128xf32, #tpu.memory_space<vmem>>, vector<1x16xf32>,
          %get3A_371 = vector.shape_cast %get3A_370 : vector<1x16xf32> to vector<16xf32>
          %get3A_372 = arith.constant 0 : i32
          %get3A_373 = arith.constant 0 : i32
          %get3A_374 = tpu.memref_slice %arg10[%select_n3A_107, %get3A_372, %get3A_373] : memref<2x80x128xf32, #tpu.memory_space<vmem>> -> memref<1x80x128xf32, #tpu.memory_space<vmem>>
          %get3A_375 = tpu.memref_squeeze %get3A_374 : memref<1x80x128xf32, #tpu.memory_space<vmem>> -> memref<80x128xf32, #tpu.memory_space<vmem>>
          %get3A_376 = arith.index_cast %add3A_172 : i32 to index
          %get3A_377 = arith.constant 112 : index
          %get3A_378 = tpu.vector_load %get3A_375[%get3A_376, %get3A_377] {strides = array<i32>} : memref<80x128xf32, #tpu.memory_space<vmem>>, vector<1x16xf32>,
          %get3A_379 = vector.shape_cast %get3A_378 : vector<1x16xf32> to vector<16xf32>
          %get3A_380 = arith.constant 0 : i32
          %get3A_381 = arith.constant 0 : i32
          %get3A_382 = tpu.memref_slice %arg10[%select_n3A_107, %get3A_380, %get3A_381] : memref<2x80x128xf32, #tpu.memory_space<vmem>> -> memref<1x80x128xf32, #tpu.memory_space<vmem>>
          %get3A_383 = tpu.memref_squeeze %get3A_382 : memref<1x80x128xf32, #tpu.memory_space<vmem>> -> memref<80x128xf32, #tpu.memory_space<vmem>>
          %get3A_384 = arith.index_cast %add3A_174 : i32 to index
          %get3A_385 = arith.constant 0 : index
          %get3A_386 = tpu.vector_load %get3A_383[%get3A_384, %get3A_385] {strides = array<i32>} : memref<80x128xf32, #tpu.memory_space<vmem>>, vector<1x16xf32>,
          %get3A_387 = vector.shape_cast %get3A_386 : vector<1x16xf32> to vector<16xf32>
          %get3A_388 = arith.constant 0 : i32
          %get3A_389 = arith.constant 0 : i32
          %get3A_390 = tpu.memref_slice %arg10[%select_n3A_107, %get3A_388, %get3A_389] : memref<2x80x128xf32, #tpu.memory_space<vmem>> -> memref<1x80x128xf32, #tpu.memory_space<vmem>>
          %get3A_391 = tpu.memref_squeeze %get3A_390 : memref<1x80x128xf32, #tpu.memory_space<vmem>> -> memref<80x128xf32, #tpu.memory_space<vmem>>
          %get3A_392 = arith.index_cast %add3A_176 : i32 to index
          %get3A_393 = arith.constant 16 : index
          %get3A_394 = tpu.vector_load %get3A_391[%get3A_392, %get3A_393] {strides = array<i32>} : memref<80x128xf32, #tpu.memory_space<vmem>>, vector<1x16xf32>,
          %get3A_395 = vector.shape_cast %get3A_394 : vector<1x16xf32> to vector<16xf32>
          %get3A_396 = arith.constant 0 : i32
          %get3A_397 = arith.constant 0 : i32
          %get3A_398 = tpu.memref_slice %arg10[%select_n3A_107, %get3A_396, %get3A_397] : memref<2x80x128xf32, #tpu.memory_space<vmem>> -> memref<1x80x128xf32, #tpu.memory_space<vmem>>
          %get3A_399 = tpu.memref_squeeze %get3A_398 : memref<1x80x128xf32, #tpu.memory_space<vmem>> -> memref<80x128xf32, #tpu.memory_space<vmem>>
          %get3A_400 = arith.index_cast %add3A_178 : i32 to index
          %get3A_401 = arith.constant 32 : index
          %get3A_402 = tpu.vector_load %get3A_399[%get3A_400, %get3A_401] {strides = array<i32>} : memref<80x128xf32, #tpu.memory_space<vmem>>, vector<1x16xf32>,
          %get3A_403 = vector.shape_cast %get3A_402 : vector<1x16xf32> to vector<16xf32>
          %get3A_404 = arith.constant 0 : i32
          %get3A_405 = arith.constant 0 : i32
          %get3A_406 = tpu.memref_slice %arg10[%select_n3A_107, %get3A_404, %get3A_405] : memref<2x80x128xf32, #tpu.memory_space<vmem>> -> memref<1x80x128xf32, #tpu.memory_space<vmem>>
          %get3A_407 = tpu.memref_squeeze %get3A_406 : memref<1x80x128xf32, #tpu.memory_space<vmem>> -> memref<80x128xf32, #tpu.memory_space<vmem>>
          %get3A_408 = arith.index_cast %add3A_180 : i32 to index
          %get3A_409 = arith.constant 48 : index
          %get3A_410 = tpu.vector_load %get3A_407[%get3A_408, %get3A_409] {strides = array<i32>} : memref<80x128xf32, #tpu.memory_space<vmem>>, vector<1x16xf32>,
          %get3A_411 = vector.shape_cast %get3A_410 : vector<1x16xf32> to vector<16xf32>
          %get3A_412 = arith.constant 0 : i32
          %get3A_413 = arith.constant 0 : i32
          %get3A_414 = tpu.memref_slice %arg10[%select_n3A_107, %get3A_412, %get3A_413] : memref<2x80x128xf32, #tpu.memory_space<vmem>> -> memref<1x80x128xf32, #tpu.memory_space<vmem>>
          %get3A_415 = tpu.memref_squeeze %get3A_414 : memref<1x80x128xf32, #tpu.memory_space<vmem>> -> memref<80x128xf32, #tpu.memory_space<vmem>>
          %get3A_416 = arith.index_cast %add3A_182 : i32 to index
          %get3A_417 = arith.constant 64 : index
          %get3A_418 = tpu.vector_load %get3A_415[%get3A_416, %get3A_417] {strides = array<i32>} : memref<80x128xf32, #tpu.memory_space<vmem>>, vector<1x16xf32>,
          %get3A_419 = vector.shape_cast %get3A_418 : vector<1x16xf32> to vector<16xf32>
          %get3A_420 = arith.constant 0 : i32
          %get3A_421 = arith.constant 0 : i32
          %get3A_422 = tpu.memref_slice %arg10[%select_n3A_107, %get3A_420, %get3A_421] : memref<2x80x128xf32, #tpu.memory_space<vmem>> -> memref<1x80x128xf32, #tpu.memory_space<vmem>>
          %get3A_423 = tpu.memref_squeeze %get3A_422 : memref<1x80x128xf32, #tpu.memory_space<vmem>> -> memref<80x128xf32, #tpu.memory_space<vmem>>
          %get3A_424 = arith.index_cast %add3A_184 : i32 to index
          %get3A_425 = arith.constant 80 : index
          %get3A_426 = tpu.vector_load %get3A_423[%get3A_424, %get3A_425] {strides = array<i32>} : memref<80x128xf32, #tpu.memory_space<vmem>>, vector<1x16xf32>,
          %get3A_427 = vector.shape_cast %get3A_426 : vector<1x16xf32> to vector<16xf32>
          %get3A_428 = arith.constant 0 : i32
          %get3A_429 = arith.constant 0 : i32
          %get3A_430 = tpu.memref_slice %arg10[%select_n3A_107, %get3A_428, %get3A_429] : memref<2x80x128xf32, #tpu.memory_space<vmem>> -> memref<1x80x128xf32, #tpu.memory_space<vmem>>
          %get3A_431 = tpu.memref_squeeze %get3A_430 : memref<1x80x128xf32, #tpu.memory_space<vmem>> -> memref<80x128xf32, #tpu.memory_space<vmem>>
          %get3A_432 = arith.index_cast %add3A_186 : i32 to index
          %get3A_433 = arith.constant 96 : index
          %get3A_434 = tpu.vector_load %get3A_431[%get3A_432, %get3A_433] {strides = array<i32>} : memref<80x128xf32, #tpu.memory_space<vmem>>, vector<1x16xf32>,
          %get3A_435 = vector.shape_cast %get3A_434 : vector<1x16xf32> to vector<16xf32>
          %get3A_436 = arith.constant 0 : i32
          %get3A_437 = arith.constant 0 : i32
          %get3A_438 = tpu.memref_slice %arg10[%select_n3A_107, %get3A_436, %get3A_437] : memref<2x80x128xf32, #tpu.memory_space<vmem>> -> memref<1x80x128xf32, #tpu.memory_space<vmem>>
          %get3A_439 = tpu.memref_squeeze %get3A_438 : memref<1x80x128xf32, #tpu.memory_space<vmem>> -> memref<80x128xf32, #tpu.memory_space<vmem>>
          %get3A_440 = arith.index_cast %add3A_188 : i32 to index
          %get3A_441 = arith.constant 112 : index
          %get3A_442 = tpu.vector_load %get3A_439[%get3A_440, %get3A_441] {strides = array<i32>} : memref<80x128xf32, #tpu.memory_space<vmem>>, vector<1x16xf32>,
          %get3A_443 = vector.shape_cast %get3A_442 : vector<1x16xf32> to vector<16xf32>
          %add3A_444 = arith.addf %get3A_195, %get3A_323 : vector<16xf32>
          %max3A = arith.constant 0.000000e+00 : f32
          %max3A_445 = vector.broadcast %max3A : f32 to vector<16xf32>
          %max3A_446 = arith.maximumf %add3A_444, %max3A_445 : vector<16xf32>
          %swap3A = arith.constant 0 : i32
          %swap3A_447 = arith.constant 0 : i32
          %swap3A_448 = tpu.memref_slice %arg9[%select_n3A_107, %swap3A, %swap3A_447] : memref<2x80x128xf32, #tpu.memory_space<vmem>> -> memref<1x80x128xf32, #tpu.memory_space<vmem>>
          %swap3A_449 = tpu.memref_squeeze %swap3A_448 : memref<1x80x128xf32, #tpu.memory_space<vmem>> -> memref<80x128xf32, #tpu.memory_space<vmem>>
          %swap3A_450 = arith.index_cast %add3A_158 : i32 to index
          %swap3A_451 = arith.constant 0 : index
          %swap3A_452 = tpu.vector_load %swap3A_449[%swap3A_450, %swap3A_451] {strides = array<i32>} : memref<80x128xf32, #tpu.memory_space<vmem>>, vector<1x16xf32>,
          %swap3A_453 = vector.shape_cast %swap3A_452 : vector<1x16xf32> to vector<16xf32>
          %swap3A_454 = vector.shape_cast %max3A_446 : vector<16xf32> to vector<1x16xf32>
          tpu.vector_store %swap3A_449[%swap3A_450, %swap3A_451], %swap3A_454 {strides = array<i32>} : memref<80x128xf32, #tpu.memory_space<vmem>>, vector<1x16xf32>,
          %add3A_455 = arith.addf %get3A_203, %get3A_331 : vector<16xf32>
          %max3A_456 = arith.constant 0.000000e+00 : f32
          %max3A_457 = vector.broadcast %max3A_456 : f32 to vector<16xf32>
          %max3A_458 = arith.maximumf %add3A_455, %max3A_457 : vector<16xf32>
          %swap3A_459 = arith.constant 0 : i32
          %swap3A_460 = arith.constant 0 : i32
          %swap3A_461 = tpu.memref_slice %arg9[%select_n3A_107, %swap3A_459, %swap3A_460] : memref<2x80x128xf32, #tpu.memory_space<vmem>> -> memref<1x80x128xf32, #tpu.memory_space<vmem>>
          %swap3A_462 = tpu.memref_squeeze %swap3A_461 : memref<1x80x128xf32, #tpu.memory_space<vmem>> -> memref<80x128xf32, #tpu.memory_space<vmem>>
          %swap3A_463 = arith.index_cast %add3A_160 : i32 to index
          %swap3A_464 = arith.constant 16 : index
          %swap3A_465 = tpu.vector_load %swap3A_462[%swap3A_463, %swap3A_464] {strides = array<i32>} : memref<80x128xf32, #tpu.memory_space<vmem>>, vector<1x16xf32>,
          %swap3A_466 = vector.shape_cast %swap3A_465 : vector<1x16xf32> to vector<16xf32>
          %swap3A_467 = vector.shape_cast %max3A_458 : vector<16xf32> to vector<1x16xf32>
          tpu.vector_store %swap3A_462[%swap3A_463, %swap3A_464], %swap3A_467 {strides = array<i32>} : memref<80x128xf32, #tpu.memory_space<vmem>>, vector<1x16xf32>,
          %add3A_468 = arith.addf %get3A_211, %get3A_339 : vector<16xf32>
          %max3A_469 = arith.constant 0.000000e+00 : f32
          %max3A_470 = vector.broadcast %max3A_469 : f32 to vector<16xf32>
          %max3A_471 = arith.maximumf %add3A_468, %max3A_470 : vector<16xf32>
          %swap3A_472 = arith.constant 0 : i32
          %swap3A_473 = arith.constant 0 : i32
          %swap3A_474 = tpu.memref_slice %arg9[%select_n3A_107, %swap3A_472, %swap3A_473] : memref<2x80x128xf32, #tpu.memory_space<vmem>> -> memref<1x80x128xf32, #tpu.memory_space<vmem>>
          %swap3A_475 = tpu.memref_squeeze %swap3A_474 : memref<1x80x128xf32, #tpu.memory_space<vmem>> -> memref<80x128xf32, #tpu.memory_space<vmem>>
          %swap3A_476 = arith.index_cast %add3A_162 : i32 to index
          %swap3A_477 = arith.constant 32 : index
          %swap3A_478 = tpu.vector_load %swap3A_475[%swap3A_476, %swap3A_477] {strides = array<i32>} : memref<80x128xf32, #tpu.memory_space<vmem>>, vector<1x16xf32>,
          %swap3A_479 = vector.shape_cast %swap3A_478 : vector<1x16xf32> to vector<16xf32>
          %swap3A_480 = vector.shape_cast %max3A_471 : vector<16xf32> to vector<1x16xf32>
          tpu.vector_store %swap3A_475[%swap3A_476, %swap3A_477], %swap3A_480 {strides = array<i32>} : memref<80x128xf32, #tpu.memory_space<vmem>>, vector<1x16xf32>,
          %add3A_481 = arith.addf %get3A_219, %get3A_347 : vector<16xf32>
          %max3A_482 = arith.constant 0.000000e+00 : f32
          %max3A_483 = vector.broadcast %max3A_482 : f32 to vector<16xf32>
          %max3A_484 = arith.maximumf %add3A_481, %max3A_483 : vector<16xf32>
          %swap3A_485 = arith.constant 0 : i32
          %swap3A_486 = arith.constant 0 : i32
          %swap3A_487 = tpu.memref_slice %arg9[%select_n3A_107, %swap3A_485, %swap3A_486] : memref<2x80x128xf32, #tpu.memory_space<vmem>> -> memref<1x80x128xf32, #tpu.memory_space<vmem>>
          %swap3A_488 = tpu.memref_squeeze %swap3A_487 : memref<1x80x128xf32, #tpu.memory_space<vmem>> -> memref<80x128xf32, #tpu.memory_space<vmem>>
          %swap3A_489 = arith.index_cast %add3A_164 : i32 to index
          %swap3A_490 = arith.constant 48 : index
          %swap3A_491 = tpu.vector_load %swap3A_488[%swap3A_489, %swap3A_490] {strides = array<i32>} : memref<80x128xf32, #tpu.memory_space<vmem>>, vector<1x16xf32>,
          %swap3A_492 = vector.shape_cast %swap3A_491 : vector<1x16xf32> to vector<16xf32>
          %swap3A_493 = vector.shape_cast %max3A_484 : vector<16xf32> to vector<1x16xf32>
          tpu.vector_store %swap3A_488[%swap3A_489, %swap3A_490], %swap3A_493 {strides = array<i32>} : memref<80x128xf32, #tpu.memory_space<vmem>>, vector<1x16xf32>,
          %add3A_494 = arith.addf %get3A_227, %get3A_355 : vector<16xf32>
          %max3A_495 = arith.constant 0.000000e+00 : f32
          %max3A_496 = vector.broadcast %max3A_495 : f32 to vector<16xf32>
          %max3A_497 = arith.maximumf %add3A_494, %max3A_496 : vector<16xf32>
          %swap3A_498 = arith.constant 0 : i32
          %swap3A_499 = arith.constant 0 : i32
          %swap3A_500 = tpu.memref_slice %arg9[%select_n3A_107, %swap3A_498, %swap3A_499] : memref<2x80x128xf32, #tpu.memory_space<vmem>> -> memref<1x80x128xf32, #tpu.memory_space<vmem>>
          %swap3A_501 = tpu.memref_squeeze %swap3A_500 : memref<1x80x128xf32, #tpu.memory_space<vmem>> -> memref<80x128xf32, #tpu.memory_space<vmem>>
          %swap3A_502 = arith.index_cast %add3A_166 : i32 to index
          %swap3A_503 = arith.constant 64 : index
          %swap3A_504 = tpu.vector_load %swap3A_501[%swap3A_502, %swap3A_503] {strides = array<i32>} : memref<80x128xf32, #tpu.memory_space<vmem>>, vector<1x16xf32>,
          %swap3A_505 = vector.shape_cast %swap3A_504 : vector<1x16xf32> to vector<16xf32>
          %swap3A_506 = vector.shape_cast %max3A_497 : vector<16xf32> to vector<1x16xf32>
          tpu.vector_store %swap3A_501[%swap3A_502, %swap3A_503], %swap3A_506 {strides = array<i32>} : memref<80x128xf32, #tpu.memory_space<vmem>>, vector<1x16xf32>,
          %add3A_507 = arith.addf %get3A_235, %get3A_363 : vector<16xf32>
          %max3A_508 = arith.constant 0.000000e+00 : f32
          %max3A_509 = vector.broadcast %max3A_508 : f32 to vector<16xf32>
          %max3A_510 = arith.maximumf %add3A_507, %max3A_509 : vector<16xf32>
          %swap3A_511 = arith.constant 0 : i32
          %swap3A_512 = arith.constant 0 : i32
          %swap3A_513 = tpu.memref_slice %arg9[%select_n3A_107, %swap3A_511, %swap3A_512] : memref<2x80x128xf32, #tpu.memory_space<vmem>> -> memref<1x80x128xf32, #tpu.memory_space<vmem>>
          %swap3A_514 = tpu.memref_squeeze %swap3A_513 : memref<1x80x128xf32, #tpu.memory_space<vmem>> -> memref<80x128xf32, #tpu.memory_space<vmem>>
          %swap3A_515 = arith.index_cast %add3A_168 : i32 to index
          %swap3A_516 = arith.constant 80 : index
          %swap3A_517 = tpu.vector_load %swap3A_514[%swap3A_515, %swap3A_516] {strides = array<i32>} : memref<80x128xf32, #tpu.memory_space<vmem>>, vector<1x16xf32>,
          %swap3A_518 = vector.shape_cast %swap3A_517 : vector<1x16xf32> to vector<16xf32>
          %swap3A_519 = vector.shape_cast %max3A_510 : vector<16xf32> to vector<1x16xf32>
          tpu.vector_store %swap3A_514[%swap3A_515, %swap3A_516], %swap3A_519 {strides = array<i32>} : memref<80x128xf32, #tpu.memory_space<vmem>>, vector<1x16xf32>,
          %add3A_520 = arith.addf %get3A_243, %get3A_371 : vector<16xf32>
          %max3A_521 = arith.constant 0.000000e+00 : f32
          %max3A_522 = vector.broadcast %max3A_521 : f32 to vector<16xf32>
          %max3A_523 = arith.maximumf %add3A_520, %max3A_522 : vector<16xf32>
          %swap3A_524 = arith.constant 0 : i32
          %swap3A_525 = arith.constant 0 : i32
          %swap3A_526 = tpu.memref_slice %arg9[%select_n3A_107, %swap3A_524, %swap3A_525] : memref<2x80x128xf32, #tpu.memory_space<vmem>> -> memref<1x80x128xf32, #tpu.memory_space<vmem>>
          %swap3A_527 = tpu.memref_squeeze %swap3A_526 : memref<1x80x128xf32, #tpu.memory_space<vmem>> -> memref<80x128xf32, #tpu.memory_space<vmem>>
          %swap3A_528 = arith.index_cast %add3A_170 : i32 to index
          %swap3A_529 = arith.constant 96 : index
          %swap3A_530 = tpu.vector_load %swap3A_527[%swap3A_528, %swap3A_529] {strides = array<i32>} : memref<80x128xf32, #tpu.memory_space<vmem>>, vector<1x16xf32>,
          %swap3A_531 = vector.shape_cast %swap3A_530 : vector<1x16xf32> to vector<16xf32>
          %swap3A_532 = vector.shape_cast %max3A_523 : vector<16xf32> to vector<1x16xf32>
          tpu.vector_store %swap3A_527[%swap3A_528, %swap3A_529], %swap3A_532 {strides = array<i32>} : memref<80x128xf32, #tpu.memory_space<vmem>>, vector<1x16xf32>,
          %add3A_533 = arith.addf %get3A_251, %get3A_379 : vector<16xf32>
          %max3A_534 = arith.constant 0.000000e+00 : f32
          %max3A_535 = vector.broadcast %max3A_534 : f32 to vector<16xf32>
          %max3A_536 = arith.maximumf %add3A_533, %max3A_535 : vector<16xf32>
          %swap3A_537 = arith.constant 0 : i32
          %swap3A_538 = arith.constant 0 : i32
          %swap3A_539 = tpu.memref_slice %arg9[%select_n3A_107, %swap3A_537, %swap3A_538] : memref<2x80x128xf32, #tpu.memory_space<vmem>> -> memref<1x80x128xf32, #tpu.memory_space<vmem>>
          %swap3A_540 = tpu.memref_squeeze %swap3A_539 : memref<1x80x128xf32, #tpu.memory_space<vmem>> -> memref<80x128xf32, #tpu.memory_space<vmem>>
          %swap3A_541 = arith.index_cast %add3A_172 : i32 to index
          %swap3A_542 = arith.constant 112 : index
          %swap3A_543 = tpu.vector_load %swap3A_540[%swap3A_541, %swap3A_542] {strides = array<i32>} : memref<80x128xf32, #tpu.memory_space<vmem>>, vector<1x16xf32>,
          %swap3A_544 = vector.shape_cast %swap3A_543 : vector<1x16xf32> to vector<16xf32>
          %swap3A_545 = vector.shape_cast %max3A_536 : vector<16xf32> to vector<1x16xf32>
          tpu.vector_store %swap3A_540[%swap3A_541, %swap3A_542], %swap3A_545 {strides = array<i32>} : memref<80x128xf32, #tpu.memory_space<vmem>>, vector<1x16xf32>,
          %add3A_546 = arith.addf %get3A_259, %get3A_387 : vector<16xf32>
          %max3A_547 = arith.constant 0.000000e+00 : f32
          %max3A_548 = vector.broadcast %max3A_547 : f32 to vector<16xf32>
          %max3A_549 = arith.maximumf %add3A_546, %max3A_548 : vector<16xf32>
          %swap3A_550 = arith.constant 0 : i32
          %swap3A_551 = arith.constant 0 : i32
          %swap3A_552 = tpu.memref_slice %arg9[%select_n3A_107, %swap3A_550, %swap3A_551] : memref<2x80x128xf32, #tpu.memory_space<vmem>> -> memref<1x80x128xf32, #tpu.memory_space<vmem>>
          %swap3A_553 = tpu.memref_squeeze %swap3A_552 : memref<1x80x128xf32, #tpu.memory_space<vmem>> -> memref<80x128xf32, #tpu.memory_space<vmem>>
          %swap3A_554 = arith.index_cast %add3A_174 : i32 to index
          %swap3A_555 = arith.constant 0 : index
          %swap3A_556 = tpu.vector_load %swap3A_553[%swap3A_554, %swap3A_555] {strides = array<i32>} : memref<80x128xf32, #tpu.memory_space<vmem>>, vector<1x16xf32>,
          %swap3A_557 = vector.shape_cast %swap3A_556 : vector<1x16xf32> to vector<16xf32>
          %swap3A_558 = vector.shape_cast %max3A_549 : vector<16xf32> to vector<1x16xf32>
          tpu.vector_store %swap3A_553[%swap3A_554, %swap3A_555], %swap3A_558 {strides = array<i32>} : memref<80x128xf32, #tpu.memory_space<vmem>>, vector<1x16xf32>,
          %add3A_559 = arith.addf %get3A_267, %get3A_395 : vector<16xf32>
          %max3A_560 = arith.constant 0.000000e+00 : f32
          %max3A_561 = vector.broadcast %max3A_560 : f32 to vector<16xf32>
          %max3A_562 = arith.maximumf %add3A_559, %max3A_561 : vector<16xf32>
          %swap3A_563 = arith.constant 0 : i32
          %swap3A_564 = arith.constant 0 : i32
          %swap3A_565 = tpu.memref_slice %arg9[%select_n3A_107, %swap3A_563, %swap3A_564] : memref<2x80x128xf32, #tpu.memory_space<vmem>> -> memref<1x80x128xf32, #tpu.memory_space<vmem>>
          %swap3A_566 = tpu.memref_squeeze %swap3A_565 : memref<1x80x128xf32, #tpu.memory_space<vmem>> -> memref<80x128xf32, #tpu.memory_space<vmem>>
          %swap3A_567 = arith.index_cast %add3A_176 : i32 to index
          %swap3A_568 = arith.constant 16 : index
          %swap3A_569 = tpu.vector_load %swap3A_566[%swap3A_567, %swap3A_568] {strides = array<i32>} : memref<80x128xf32, #tpu.memory_space<vmem>>, vector<1x16xf32>,
          %swap3A_570 = vector.shape_cast %swap3A_569 : vector<1x16xf32> to vector<16xf32>
          %swap3A_571 = vector.shape_cast %max3A_562 : vector<16xf32> to vector<1x16xf32>
          tpu.vector_store %swap3A_566[%swap3A_567, %swap3A_568], %swap3A_571 {strides = array<i32>} : memref<80x128xf32, #tpu.memory_space<vmem>>, vector<1x16xf32>,
          %add3A_572 = arith.addf %get3A_275, %get3A_403 : vector<16xf32>
          %max3A_573 = arith.constant 0.000000e+00 : f32
          %max3A_574 = vector.broadcast %max3A_573 : f32 to vector<16xf32>
          %max3A_575 = arith.maximumf %add3A_572, %max3A_574 : vector<16xf32>
          %swap3A_576 = arith.constant 0 : i32
          %swap3A_577 = arith.constant 0 : i32
          %swap3A_578 = tpu.memref_slice %arg9[%select_n3A_107, %swap3A_576, %swap3A_577] : memref<2x80x128xf32, #tpu.memory_space<vmem>> -> memref<1x80x128xf32, #tpu.memory_space<vmem>>
          %swap3A_579 = tpu.memref_squeeze %swap3A_578 : memref<1x80x128xf32, #tpu.memory_space<vmem>> -> memref<80x128xf32, #tpu.memory_space<vmem>>
          %swap3A_580 = arith.index_cast %add3A_178 : i32 to index
          %swap3A_581 = arith.constant 32 : index
          %swap3A_582 = tpu.vector_load %swap3A_579[%swap3A_580, %swap3A_581] {strides = array<i32>} : memref<80x128xf32, #tpu.memory_space<vmem>>, vector<1x16xf32>,
          %swap3A_583 = vector.shape_cast %swap3A_582 : vector<1x16xf32> to vector<16xf32>
          %swap3A_584 = vector.shape_cast %max3A_575 : vector<16xf32> to vector<1x16xf32>
          tpu.vector_store %swap3A_579[%swap3A_580, %swap3A_581], %swap3A_584 {strides = array<i32>} : memref<80x128xf32, #tpu.memory_space<vmem>>, vector<1x16xf32>,
          %add3A_585 = arith.addf %get3A_283, %get3A_411 : vector<16xf32>
          %max3A_586 = arith.constant 0.000000e+00 : f32
          %max3A_587 = vector.broadcast %max3A_586 : f32 to vector<16xf32>
          %max3A_588 = arith.maximumf %add3A_585, %max3A_587 : vector<16xf32>
          %swap3A_589 = arith.constant 0 : i32
          %swap3A_590 = arith.constant 0 : i32
          %swap3A_591 = tpu.memref_slice %arg9[%select_n3A_107, %swap3A_589, %swap3A_590] : memref<2x80x128xf32, #tpu.memory_space<vmem>> -> memref<1x80x128xf32, #tpu.memory_space<vmem>>
          %swap3A_592 = tpu.memref_squeeze %swap3A_591 : memref<1x80x128xf32, #tpu.memory_space<vmem>> -> memref<80x128xf32, #tpu.memory_space<vmem>>
          %swap3A_593 = arith.index_cast %add3A_180 : i32 to index
          %swap3A_594 = arith.constant 48 : index
          %swap3A_595 = tpu.vector_load %swap3A_592[%swap3A_593, %swap3A_594] {strides = array<i32>} : memref<80x128xf32, #tpu.memory_space<vmem>>, vector<1x16xf32>,
          %swap3A_596 = vector.shape_cast %swap3A_595 : vector<1x16xf32> to vector<16xf32>
          %swap3A_597 = vector.shape_cast %max3A_588 : vector<16xf32> to vector<1x16xf32>
          tpu.vector_store %swap3A_592[%swap3A_593, %swap3A_594], %swap3A_597 {strides = array<i32>} : memref<80x128xf32, #tpu.memory_space<vmem>>, vector<1x16xf32>,
          %add3A_598 = arith.addf %get3A_291, %get3A_419 : vector<16xf32>
          %max3A_599 = arith.constant 0.000000e+00 : f32
          %max3A_600 = vector.broadcast %max3A_599 : f32 to vector<16xf32>
          %max3A_601 = arith.maximumf %add3A_598, %max3A_600 : vector<16xf32>
          %swap3A_602 = arith.constant 0 : i32
          %swap3A_603 = arith.constant 0 : i32
          %swap3A_604 = tpu.memref_slice %arg9[%select_n3A_107, %swap3A_602, %swap3A_603] : memref<2x80x128xf32, #tpu.memory_space<vmem>> -> memref<1x80x128xf32, #tpu.memory_space<vmem>>
          %swap3A_605 = tpu.memref_squeeze %swap3A_604 : memref<1x80x128xf32, #tpu.memory_space<vmem>> -> memref<80x128xf32, #tpu.memory_space<vmem>>
          %swap3A_606 = arith.index_cast %add3A_182 : i32 to index
          %swap3A_607 = arith.constant 64 : index
          %swap3A_608 = tpu.vector_load %swap3A_605[%swap3A_606, %swap3A_607] {strides = array<i32>} : memref<80x128xf32, #tpu.memory_space<vmem>>, vector<1x16xf32>,
          %swap3A_609 = vector.shape_cast %swap3A_608 : vector<1x16xf32> to vector<16xf32>
          %swap3A_610 = vector.shape_cast %max3A_601 : vector<16xf32> to vector<1x16xf32>
          tpu.vector_store %swap3A_605[%swap3A_606, %swap3A_607], %swap3A_610 {strides = array<i32>} : memref<80x128xf32, #tpu.memory_space<vmem>>, vector<1x16xf32>,
          %add3A_611 = arith.addf %get3A_299, %get3A_427 : vector<16xf32>
          %max3A_612 = arith.constant 0.000000e+00 : f32
          %max3A_613 = vector.broadcast %max3A_612 : f32 to vector<16xf32>
          %max3A_614 = arith.maximumf %add3A_611, %max3A_613 : vector<16xf32>
          %swap3A_615 = arith.constant 0 : i32
          %swap3A_616 = arith.constant 0 : i32
          %swap3A_617 = tpu.memref_slice %arg9[%select_n3A_107, %swap3A_615, %swap3A_616] : memref<2x80x128xf32, #tpu.memory_space<vmem>> -> memref<1x80x128xf32, #tpu.memory_space<vmem>>
          %swap3A_618 = tpu.memref_squeeze %swap3A_617 : memref<1x80x128xf32, #tpu.memory_space<vmem>> -> memref<80x128xf32, #tpu.memory_space<vmem>>
          %swap3A_619 = arith.index_cast %add3A_184 : i32 to index
          %swap3A_620 = arith.constant 80 : index
          %swap3A_621 = tpu.vector_load %swap3A_618[%swap3A_619, %swap3A_620] {strides = array<i32>} : memref<80x128xf32, #tpu.memory_space<vmem>>, vector<1x16xf32>,
          %swap3A_622 = vector.shape_cast %swap3A_621 : vector<1x16xf32> to vector<16xf32>
          %swap3A_623 = vector.shape_cast %max3A_614 : vector<16xf32> to vector<1x16xf32>
          tpu.vector_store %swap3A_618[%swap3A_619, %swap3A_620], %swap3A_623 {strides = array<i32>} : memref<80x128xf32, #tpu.memory_space<vmem>>, vector<1x16xf32>,
          %add3A_624 = arith.addf %get3A_307, %get3A_435 : vector<16xf32>
          %max3A_625 = arith.constant 0.000000e+00 : f32
          %max3A_626 = vector.broadcast %max3A_625 : f32 to vector<16xf32>
          %max3A_627 = arith.maximumf %add3A_624, %max3A_626 : vector<16xf32>
          %swap3A_628 = arith.constant 0 : i32
          %swap3A_629 = arith.constant 0 : i32
          %swap3A_630 = tpu.memref_slice %arg9[%select_n3A_107, %swap3A_628, %swap3A_629] : memref<2x80x128xf32, #tpu.memory_space<vmem>> -> memref<1x80x128xf32, #tpu.memory_space<vmem>>
          %swap3A_631 = tpu.memref_squeeze %swap3A_630 : memref<1x80x128xf32, #tpu.memory_space<vmem>> -> memref<80x128xf32, #tpu.memory_space<vmem>>
          %swap3A_632 = arith.index_cast %add3A_186 : i32 to index
          %swap3A_633 = arith.constant 96 : index
          %swap3A_634 = tpu.vector_load %swap3A_631[%swap3A_632, %swap3A_633] {strides = array<i32>} : memref<80x128xf32, #tpu.memory_space<vmem>>, vector<1x16xf32>,
          %swap3A_635 = vector.shape_cast %swap3A_634 : vector<1x16xf32> to vector<16xf32>
          %swap3A_636 = vector.shape_cast %max3A_627 : vector<16xf32> to vector<1x16xf32>
          tpu.vector_store %swap3A_631[%swap3A_632, %swap3A_633], %swap3A_636 {strides = array<i32>} : memref<80x128xf32, #tpu.memory_space<vmem>>, vector<1x16xf32>,
          %add3A_637 = arith.addf %get3A_315, %get3A_443 : vector<16xf32>
          %max3A_638 = arith.constant 0.000000e+00 : f32
          %max3A_639 = vector.broadcast %max3A_638 : f32 to vector<16xf32>
          %max3A_640 = arith.maximumf %add3A_637, %max3A_639 : vector<16xf32>
          %swap3A_641 = arith.constant 0 : i32
          %swap3A_642 = arith.constant 0 : i32
          %swap3A_643 = tpu.memref_slice %arg9[%select_n3A_107, %swap3A_641, %swap3A_642] : memref<2x80x128xf32, #tpu.memory_space<vmem>> -> memref<1x80x128xf32, #tpu.memory_space<vmem>>
          %swap3A_644 = tpu.memref_squeeze %swap3A_643 : memref<1x80x128xf32, #tpu.memory_space<vmem>> -> memref<80x128xf32, #tpu.memory_space<vmem>>
          %swap3A_645 = arith.index_cast %add3A_188 : i32 to index
          %swap3A_646 = arith.constant 112 : index
          %swap3A_647 = tpu.vector_load %swap3A_644[%swap3A_645, %swap3A_646] {strides = array<i32>} : memref<80x128xf32, #tpu.memory_space<vmem>>, vector<1x16xf32>,
          %swap3A_648 = vector.shape_cast %swap3A_647 : vector<1x16xf32> to vector<16xf32>
          %swap3A_649 = vector.shape_cast %max3A_640 : vector<16xf32> to vector<1x16xf32>
          tpu.vector_store %swap3A_644[%swap3A_645, %swap3A_646], %swap3A_649 {strides = array<i32>} : memref<80x128xf32, #tpu.memory_space<vmem>>, vector<1x16xf32>,
        }
        %scan3A_139 = arith.constant 40 : i32
        %dma_start3A_140 = arith.constant 0 : i32
        %dma_start3A_141 = arith.constant 0 : i32
        %dma_start3A_142 = tpu.memref_slice %arg9[%select_n3A_107, %dma_start3A_140, %dma_start3A_141] : memref<2x80x128xf32, #tpu.memory_space<vmem>> -> memref<1x80x128xf32, #tpu.memory_space<vmem>>
        %dma_start3A_143 = tpu.memref_squeeze %dma_start3A_142 : memref<1x80x128xf32, #tpu.memory_space<vmem>> -> memref<80x128xf32, #tpu.memory_space<vmem>>
        %dma_start3A_144 = arith.constant 0 : i32
        %dma_start3A_145 = tpu.memref_slice %arg8[%select_n3A_107, %dma_start3A_144] : memref<2x80xi32, #tpu.memory_space<vmem>> -> memref<1x80xi32, #tpu.memory_space<vmem>>
        %dma_start3A_146 = tpu.memref_squeeze %dma_start3A_145 : memref<1x80xi32, #tpu.memory_space<vmem>> -> memref<80xi32, #tpu.memory_space<vmem>>
        %dma_start3A_147 = arith.constant 0 : i32
        %dma_start3A_148 = arith.constant 0 : i32
        %dma_start3A_149 = tpu.memref_slice %arg6[%dma_start3A_147, %dma_start3A_148] : memref<10000x128xf32, #tpu.memory_space<vmem_shared>> -> memref<10000x128xf32, #tpu.memory_space<vmem_shared>>
        %dma_start3A_150 = tpu.memref_slice %arg14[%select_n3A_107] : memref<2x!tpu.dma_semaphore, #tpu.memory_space<semaphore_mem>> -> memref<1x!tpu.dma_semaphore, #tpu.memory_space<semaphore_mem>>
        %dma_start3A_151 = tpu.memref_squeeze %dma_start3A_150 : memref<1x!tpu.dma_semaphore, #tpu.memory_space<semaphore_mem>> -> memref<!tpu.dma_semaphore, #tpu.memory_space<semaphore_mem>>
        tpu.enqueue_indirect_dma source(%dma_start3A_143 : memref<80x128xf32, #tpu.memory_space<vmem>>) target(%dma_start3A_149 : memref<10000x128xf32, #tpu.memory_space<vmem_shared>>) offsets(%dma_start3A_146 : memref<80xi32, #tpu.memory_space<vmem>>) semaphore(%dma_start3A_151 : memref<!tpu.dma_semaphore, #tpu.memory_space<semaphore_mem>>) {add = true}
      } else {
      }
    }
    %scan3A_56 = arith.constant 126 : i32
    %dma_wait3A = arith.constant 1 : i32
    %dma_wait3A_57 = arith.constant 1 : i32
    %dma_wait3A_58 = arith.constant 1 : i32
    %dma_wait3A_59 = arith.constant 0 : i32
    %dma_wait3A_60 = arith.constant 0 : i32
    %dma_wait3A_61 = tpu.memref_slice %arg9[%dma_wait3A, %dma_wait3A_59, %dma_wait3A_60] : memref<2x80x128xf32, #tpu.memory_space<vmem>> -> memref<1x80x128xf32, #tpu.memory_space<vmem>>
    %dma_wait3A_62 = tpu.memref_squeeze %dma_wait3A_61 : memref<1x80x128xf32, #tpu.memory_space<vmem>> -> memref<80x128xf32, #tpu.memory_space<vmem>>
    %dma_wait3A_63 = arith.constant 0 : i32
    %dma_wait3A_64 = tpu.memref_slice %arg8[%dma_wait3A_57, %dma_wait3A_63] : memref<2x80xi32, #tpu.memory_space<vmem>> -> memref<1x80xi32, #tpu.memory_space<vmem>>
    %dma_wait3A_65 = tpu.memref_squeeze %dma_wait3A_64 : memref<1x80xi32, #tpu.memory_space<vmem>> -> memref<80xi32, #tpu.memory_space<vmem>>
    %dma_wait3A_66 = arith.constant 0 : i32
    %dma_wait3A_67 = arith.constant 0 : i32
    %dma_wait3A_68 = tpu.memref_slice %arg6[%dma_wait3A_66, %dma_wait3A_67] : memref<10000x128xf32, #tpu.memory_space<vmem_shared>> -> memref<10000x128xf32, #tpu.memory_space<vmem_shared>>
    %dma_wait3A_69 = tpu.memref_slice %arg14[%dma_wait3A_58] : memref<2x!tpu.dma_semaphore, #tpu.memory_space<semaphore_mem>> -> memref<1x!tpu.dma_semaphore, #tpu.memory_space<semaphore_mem>>
    %dma_wait3A_70 = tpu.memref_squeeze %dma_wait3A_69 : memref<1x!tpu.dma_semaphore, #tpu.memory_space<semaphore_mem>> -> memref<!tpu.dma_semaphore, #tpu.memory_space<semaphore_mem>>
    tpu.wait_indirect_dma semaphore(%dma_wait3A_70 : memref<!tpu.dma_semaphore, #tpu.memory_space<semaphore_mem>>) src(%dma_wait3A_62 : memref<80x128xf32, #tpu.memory_space<vmem>>) dst(%dma_wait3A_68 : memref<10000x128xf32, #tpu.memory_space<vmem_shared>>)
    %dma_wait3A_71 = arith.constant 0 : i32
    %dma_wait3A_72 = arith.constant 0 : i32
    %dma_wait3A_73 = arith.constant 0 : i32
    %dma_wait3A_74 = arith.constant 0 : i32
    %dma_wait3A_75 = arith.constant 0 : i32
    %dma_wait3A_76 = tpu.memref_slice %arg9[%dma_wait3A_71, %dma_wait3A_74, %dma_wait3A_75] : memref<2x80x128xf32, #tpu.memory_space<vmem>> -> memref<1x80x128xf32, #tpu.memory_space<vmem>>
    %dma_wait3A_77 = tpu.memref_squeeze %dma_wait3A_76 : memref<1x80x128xf32, #tpu.memory_space<vmem>> -> memref<80x128xf32, #tpu.memory_space<vmem>>
    %dma_wait3A_78 = arith.constant 0 : i32
    %dma_wait3A_79 = tpu.memref_slice %arg8[%dma_wait3A_72, %dma_wait3A_78] : memref<2x80xi32, #tpu.memory_space<vmem>> -> memref<1x80xi32, #tpu.memory_space<vmem>>
    %dma_wait3A_80 = tpu.memref_squeeze %dma_wait3A_79 : memref<1x80xi32, #tpu.memory_space<vmem>> -> memref<80xi32, #tpu.memory_space<vmem>>
    %dma_wait3A_81 = arith.constant 0 : i32
    %dma_wait3A_82 = arith.constant 0 : i32
    %dma_wait3A_83 = tpu.memref_slice %arg6[%dma_wait3A_81, %dma_wait3A_82] : memref<10000x128xf32, #tpu.memory_space<vmem_shared>> -> memref<10000x128xf32, #tpu.memory_space<vmem_shared>>
    %dma_wait3A_84 = tpu.memref_slice %arg14[%dma_wait3A_73] : memref<2x!tpu.dma_semaphore, #tpu.memory_space<semaphore_mem>> -> memref<1x!tpu.dma_semaphore, #tpu.memory_space<semaphore_mem>>
    %dma_wait3A_85 = tpu.memref_squeeze %dma_wait3A_84 : memref<1x!tpu.dma_semaphore, #tpu.memory_space<semaphore_mem>> -> memref<!tpu.dma_semaphore, #tpu.memory_space<semaphore_mem>>
    tpu.wait_indirect_dma semaphore(%dma_wait3A_85 : memref<!tpu.dma_semaphore, #tpu.memory_space<semaphore_mem>>) src(%dma_wait3A_77 : memref<80x128xf32, #tpu.memory_space<vmem>>) dst(%dma_wait3A_83 : memref<10000x128xf32, #tpu.memory_space<vmem_shared>>)
    %barrier3A_86 = arith.constant 0 : index
    tpu.barrier barrier_id(%barrier3A_86)
    "tpu.region"() ({
      %run_scoped3A_92 = tpu.sem_alloc : memref<!tpu.dma_semaphore, #tpu.memory_space<semaphore_mem>>
      %dma_start3A_93 = arith.constant 0 : i32
      %dma_start3A_94 = arith.constant 0 : i32
      %dma_start3A_95 = tpu.memref_slice %arg5[%arg0, %dma_start3A_93, %dma_start3A_94] : memref<2x10000x128xf32, #tpu.memory_space<hbm>> -> memref<1x10000x128xf32, #tpu.memory_space<hbm>>
      %dma_start3A_96 = tpu.memref_squeeze %dma_start3A_95 : memref<1x10000x128xf32, #tpu.memory_space<hbm>> -> memref<10000x128xf32, #tpu.memory_space<hbm>>
      %dma_start3A_97 = arith.constant 0 : i32
      %dma_start3A_98 = tpu.memref_slice %dma_start3A_96[%mul3A_11, %dma_start3A_97] : memref<10000x128xf32, #tpu.memory_space<hbm>> -> memref<624x128xf32, #tpu.memory_space<hbm>>
      %dma_start3A_99 = arith.constant 0 : i32
      %dma_start3A_100 = tpu.memref_slice %arg6[%mul3A_11, %dma_start3A_99] : memref<10000x128xf32, #tpu.memory_space<vmem_shared>> -> memref<624x128xf32, #tpu.memory_space<vmem_shared>>
      tpu.enqueue_dma source(%dma_start3A_100 : memref<624x128xf32, #tpu.memory_space<vmem_shared>>) target(%dma_start3A_98 : memref<624x128xf32, #tpu.memory_space<hbm>>) target_semaphore(%run_scoped3A_92 : memref<!tpu.dma_semaphore, #tpu.memory_space<semaphore_mem>>)
      %dma_wait3A_101 = arith.constant 0 : i32
      %dma_wait3A_102 = arith.constant 0 : i32
      %dma_wait3A_103 = tpu.memref_slice %arg5[%arg0, %dma_wait3A_101, %dma_wait3A_102] : memref<2x10000x128xf32, #tpu.memory_space<hbm>> -> memref<1x10000x128xf32, #tpu.memory_space<hbm>>
      %dma_wait3A_104 = tpu.memref_squeeze %dma_wait3A_103 : memref<1x10000x128xf32, #tpu.memory_space<hbm>> -> memref<10000x128xf32, #tpu.memory_space<hbm>>
      %dma_wait3A_105 = arith.constant 0 : i32
      %dma_wait3A_106 = tpu.memref_slice %dma_wait3A_104[%mul3A_11, %dma_wait3A_105] : memref<10000x128xf32, #tpu.memory_space<hbm>> -> memref<624x128xf32, #tpu.memory_space<hbm>>
      %dma_wait3A_107 = arith.constant 0 : i32
      %dma_wait3A_108 = tpu.memref_slice %arg6[%mul3A_11, %dma_wait3A_107] : memref<10000x128xf32, #tpu.memory_space<vmem_shared>> -> memref<624x128xf32, #tpu.memory_space<vmem_shared>>
      tpu.wait_dma2 semaphore(%run_scoped3A_92 : memref<!tpu.dma_semaphore, #tpu.memory_space<semaphore_mem>>) src(%dma_wait3A_108 : memref<624x128xf32, #tpu.memory_space<vmem_shared>>) dst(%dma_wait3A_106 : memref<624x128xf32, #tpu.memory_space<hbm>>)
      tpu.yield
    }) : () -> ()
    %eq3A_87 = arith.constant 15 : i32
    %eq3A_88 = arith.cmpi eq, %arg1, %eq3A_87 : i32
    %convert_element_type3A_89 = arith.extui %eq3A_88 : i1 to i32
    %cond3A_90 = arith.constant 0 : i32
    %cond3A_91 = arith.cmpi ne, %convert_element_type3A_89, %cond3A_90 : i32
    scf.if %cond3A_91 {
      "tpu.region"() ({
        %run_scoped3A_92 = tpu.sem_alloc : memref<!tpu.dma_semaphore, #tpu.memory_space<semaphore_mem>>
        %dma_start3A_93 = arith.constant 0 : i32
        %dma_start3A_94 = arith.constant 0 : i32
        %dma_start3A_95 = tpu.memref_slice %arg5[%arg0, %dma_start3A_93, %dma_start3A_94] : memref<2x10000x128xf32, #tpu.memory_space<hbm>> -> memref<1x10000x128xf32, #tpu.memory_space<hbm>>
        %dma_start3A_96 = tpu.memref_squeeze %dma_start3A_95 : memref<1x10000x128xf32, #tpu.memory_space<hbm>> -> memref<10000x128xf32, #tpu.memory_space<hbm>>
        %dma_start3A_97 = arith.constant 9984 : i32
        %dma_start3A_98 = arith.constant 0 : i32
        %dma_start3A_99 = tpu.memref_slice %dma_start3A_96[%dma_start3A_97, %dma_start3A_98] : memref<10000x128xf32, #tpu.memory_space<hbm>> -> memref<16x128xf32, #tpu.memory_space<hbm>>
        %dma_start3A_100 = arith.constant 9984 : i32
        %dma_start3A_101 = arith.constant 0 : i32
        %dma_start3A_102 = tpu.memref_slice %arg6[%dma_start3A_100, %dma_start3A_101] : memref<10000x128xf32, #tpu.memory_space<vmem_shared>> -> memref<16x128xf32, #tpu.memory_space<vmem_shared>>
        tpu.enqueue_dma source(%dma_start3A_102 : memref<16x128xf32, #tpu.memory_space<vmem_shared>>) target(%dma_start3A_99 : memref<16x128xf32, #tpu.memory_space<hbm>>) target_semaphore(%run_scoped3A_92 : memref<!tpu.dma_semaphore, #tpu.memory_space<semaphore_mem>>)
        %dma_wait3A_103 = arith.constant 0 : i32
        %dma_wait3A_104 = arith.constant 0 : i32
        %dma_wait3A_105 = tpu.memref_slice %arg5[%arg0, %dma_wait3A_103, %dma_wait3A_104] : memref<2x10000x128xf32, #tpu.memory_space<hbm>> -> memref<1x10000x128xf32, #tpu.memory_space<hbm>>
        %dma_wait3A_106 = tpu.memref_squeeze %dma_wait3A_105 : memref<1x10000x128xf32, #tpu.memory_space<hbm>> -> memref<10000x128xf32, #tpu.memory_space<hbm>>
        %dma_wait3A_107 = arith.constant 9984 : i32
        %dma_wait3A_108 = arith.constant 0 : i32
        %dma_wait3A_109 = tpu.memref_slice %dma_wait3A_106[%dma_wait3A_107, %dma_wait3A_108] : memref<10000x128xf32, #tpu.memory_space<hbm>> -> memref<16x128xf32, #tpu.memory_space<hbm>>
        %dma_wait3A_110 = arith.constant 9984 : i32
        %dma_wait3A_111 = arith.constant 0 : i32
        %dma_wait3A_112 = tpu.memref_slice %arg6[%dma_wait3A_110, %dma_wait3A_111] : memref<10000x128xf32, #tpu.memory_space<vmem_shared>> -> memref<16x128xf32, #tpu.memory_space<vmem_shared>>
        tpu.wait_dma2 semaphore(%run_scoped3A_92 : memref<!tpu.dma_semaphore, #tpu.memory_space<semaphore_mem>>) src(%dma_wait3A_112 : memref<16x128xf32, #tpu.memory_space<vmem_shared>>) dst(%dma_wait3A_109 : memref<16x128xf32, #tpu.memory_space<hbm>>)
        tpu.yield
      }) : () -> ()
    } else {
    }
    return
  }
}

module attributes {stable_mosaic.version = 14 : i64} {
  func.func @body(%arg0: i32, %arg1: memref<1xf32, #tpu.memory_space<smem>>, %arg2: memref<2000x128xf32, #tpu.memory_space<vmem>>, %arg3: memref<2000x128xf32, #tpu.memory_space<vmem>>, %arg4: memref<2000x128xf32, #tpu.memory_space<vmem>>, %arg5: memref<128x128xf32, #tpu.memory_space<vmem>>, %arg6: memref<1x128xf32, #tpu.memory_space<vmem>>, %arg7: memref<2000x128xf32, #tpu.memory_space<vmem>>) attributes {dimension_semantics = [#tpu.dimension_semantics<arbitrary>], iteration_bounds = array<i64: 5>, scalar_prefetch = 0 : i64, scratch_operands = 0 : i64, tpu.core_type = #tpu.core_type<tc>, window_params = [{transform_indices = @transform_0, window_bounds = array<i64: 1>}, {transform_indices = @transform_1, window_bounds = array<i64: 2000, 128>}, {transform_indices = @transform_2, window_bounds = array<i64: 2000, 128>}, {transform_indices = @transform_3, window_bounds = array<i64: 2000, 128>}, {pipeline_mode = #tpu.pipeline_mode<synchronous>, transform_indices = @transform_4, window_bounds = array<i64: 128, 128>}, {pipeline_mode = #tpu.pipeline_mode<synchronous>, transform_indices = @transform_5, window_bounds = array<i64: 1, 128>}, {transform_indices = @transform_6, window_bounds = array<i64: 2000, 128>}]} {
    %get3A = arith.constant 0 : index
    %get3A_0 = arith.constant 0 : index
    %get3A_1 = vector.load %arg2[%get3A, %get3A_0] : memref<2000x128xf32, #tpu.memory_space<vmem>>, vector<2000x128xf32>
    %get3A_2 = arith.constant 0 : index
    %get3A_3 = memref.load %arg1[%get3A_2] : memref<1xf32, #tpu.memory_space<smem>>
    %mul3A = vector.broadcast %get3A_3 : f32 to vector<2000x128xf32>
    %mul3A_4 = arith.mulf %get3A_1, %mul3A : vector<2000x128xf32>
    %get3A_5 = arith.constant 0 : index
    %get3A_6 = arith.constant 0 : index
    %get3A_7 = vector.load %arg3[%get3A_5, %get3A_6] : memref<2000x128xf32, #tpu.memory_space<vmem>>, vector<2000x128xf32>
    %add3A = arith.addf %mul3A_4, %get3A_7 : vector<2000x128xf32>
    %get3A_8 = arith.constant 0 : index
    %get3A_9 = arith.constant 0 : index
    %get3A_10 = vector.load %arg4[%get3A_8, %get3A_9] : memref<2000x128xf32, #tpu.memory_space<vmem>>, vector<2000x128xf32>
    %add3A_11 = arith.addf %add3A, %get3A_10 : vector<2000x128xf32>
    %get3A_12 = arith.constant 0 : index
    %get3A_13 = arith.constant 0 : index
    %get3A_14 = vector.load %arg5[%get3A_12, %get3A_13] : memref<128x128xf32, #tpu.memory_space<vmem>>, vector<128x128xf32>
    %dot_general3A = arith.constant dense<0.000000e+00> : vector<2000x128xf32>
    %dot_general3A_15 = tpu.matmul %add3A_11, %get3A_14, %dot_general3A {dimension_numbers = #tpu.dot_dimension_numbers<[1], [1], [0], [0], [0, 0, 1, 0], [], []>, transpose_lhs_hint = false} : vector<2000x128xf32>, vector<128x128xf32>, vector<2000x128xf32> -> vector<2000x128xf32>
    %get3A_16 = arith.constant 0 : index
    %get3A_17 = arith.constant 0 : index
    %get3A_18 = vector.load %arg6[%get3A_16, %get3A_17] : memref<1x128xf32, #tpu.memory_space<vmem>>, vector<1x128xf32>
    %add3A_19 = vector.broadcast %get3A_18 : vector<1x128xf32> to vector<2000x128xf32>
    %add3A_20 = arith.addf %dot_general3A_15, %add3A_19 : vector<2000x128xf32>
    %swap3A = arith.constant 0 : index
    %swap3A_21 = arith.constant 0 : index
    %swap3A_22 = vector.load %arg7[%swap3A, %swap3A_21] : memref<2000x128xf32, #tpu.memory_space<vmem>>, vector<2000x128xf32>
    tpu.vector_store %arg7[%swap3A, %swap3A_21], %add3A_20 {strides = array<i32>} : memref<2000x128xf32, #tpu.memory_space<vmem>>, vector<2000x128xf32>,
    return
  }
  func.func @transform_0(%arg0: i32) -> i32 {
    %c0_i32 = arith.constant 0 : i32
    %c0_i32_0 = arith.constant 0 : i32
    return %c0_i32 : i32
  }
  func.func @transform_1(%arg0: i32) -> (i32, i32) {
    %c0_i32 = arith.constant 0 : i32
    %c0_i32_0 = arith.constant 0 : i32
    return %arg0, %c0_i32 : i32, i32
  }
  func.func @transform_2(%arg0: i32) -> (i32, i32) {
    %c0_i32 = arith.constant 0 : i32
    %c0_i32_0 = arith.constant 0 : i32
    return %arg0, %c0_i32 : i32, i32
  }
  func.func @transform_3(%arg0: i32) -> (i32, i32) {
    %c0_i32 = arith.constant 0 : i32
    %c0_i32_0 = arith.constant 0 : i32
    return %arg0, %c0_i32 : i32, i32
  }
  func.func @transform_4(%arg0: i32) -> (i32, i32) {
    %c0_i32 = arith.constant 0 : i32
    %c0_i32_0 = arith.constant 0 : i32
    %c0_i32_1 = arith.constant 0 : i32
    return %c0_i32, %c0_i32_0 : i32, i32
  }
  func.func @transform_5(%arg0: i32) -> (i32, i32) {
    %c0_i32 = arith.constant 0 : i32
    %c0_i32_0 = arith.constant 0 : i32
    %c0_i32_1 = arith.constant 0 : i32
    return %c0_i32, %c0_i32_0 : i32, i32
  }
  func.func @transform_6(%arg0: i32) -> (i32, i32) {
    %c0_i32 = arith.constant 0 : i32
    %c0_i32_0 = arith.constant 0 : i32
    return %arg0, %c0_i32 : i32, i32
  }
}

</mosaic_0001>

<sc_bundles>
// kernel: kernel.4.cloned.1.call-start
scs
__scs_entry_jumppad:
0x0: {  	(pc) =	sbr.rel $0x88, $3  }
0x1: {  	(tag) =	ssettag $0x0;
	lr =	simm.s32 $0x1  }
0x2: {  	[smem:$0x3F9B] =	sst lr;
	_ =	strace $0xD0000000  }
0x3: {  	_ = 	snop  }
0x4: {  	_ = 	snop  }
0x5: {  	_ = 	snop  }
0x6: {  	_ = 	snop  }
0x7: {  	_ = 	snop  }
__scs_overlays_trampoline_lowered:
0x8: {  	[smem:$0x3FAA] =	sst s0  }
0x9: {  	[smem:$0x3FAB] =	sst s1  }
0xa: {  	[smem:$0x3FAC] =	sst s2  }
0xb: {  	[smem:$0x3FAD] =	sst s3  }
0xc: {  	[smem:$0x3FAE] =	sst s4  }
0xd: {  	[smem:$0x3FAF] =	sst s5  }
0xe: {  	[smem:$0x3FB0] =	sst s6  }
0xf: {  	[smem:$0x3FB1] =	sst s7  }
0x10: {  	[smem:$0x3FB2] =	sst s8  }
0x11: {  	[smem:$0x3FB3] =	sst s9;
	s0 =	simm.s32 @!p0 $0x0  }
0x12: {  	s1 =	sld [smem:$0x3F99];
	s0 =	simm.s32 @p0 $0x1  }
0x13: {  	[smem:$0x3FB4] =	sst s0;
	s0 =	simm.s32 @!p1 $0x0  }
0x14: {  	s2 =	sld [smem:$0x3F98];
	s0 =	simm.s32 @p1 $0x1  }
0x15: {  	[smem:$0x3FB5] =	sst s0;
	s0 =	simm.s32 @!p2 $0x0  }
0x16: {  	s3 =	sld [smem:$0x3FDB];
	s0 =	simm.s32 @p2 $0x1  }
0x17: {  	s4 =	simm.s32 $0x1BF5;
	[smem:$0x3FB7] =	sst s0  }
0x18: {  	s0 =	sld [smem:$0x3F9A];
	_ =	swait.ge [sflag:s4], $0x0  }
0x19: {  	s7 =	sld [smem:$0x3F9B]  }
0x1a: {  	s8 =	sadd.s32 $0xFFFFE003, lr  }
0x1b: {  	s9 =	sadd.s32 $0xFFFFFEF7, lr;
	s5 =	simm.s32 $0xFFFFFFFF;
	p2 =	slt.u32 s8, $0xFFFFF086  }
0x1c: {  	p1 =	slt.u32 s9, $0xF7A;
	s5 =	simm.s32 @!p2 $0x0  }
0x1d: {  	s5 =	simm.s32 @p1 $0x1;
	p0 =	seq.s32 s7, s2  }
0x1e: {  	s7 =	smul.u32 @!p0 $0xF7A, s2;
	p2 =	seq.s32 @!p0 s5, $0x0  }
0x1f: {  	s9 =	smul.u32 $0xF7A, s1;
	s8 =	simm.s32 @!p0 $0x1BF5;
	p2 =	por !p2, p0  }
0x20: {  	[sflag:s8] =	ssyncset.s32 @!p0 $0xFFFFF086;
	s6 =	sadd.s32 @!p0 s3, s7;
	s7 =	simm.s32 @!p0 $0x108  }
0x21: {  	s3 =	sadd.s32 s3, s9;
	s6 =	sadd.s32 @!p0 $0x88, s6;
	s7 =	simm.s32 @p2 $0x1082  }
0x22: {  	[simem:s7], [sflag:s8] =	dma.local @!p0 [hbm:s6], $0xF7A  }
0x23: {  	s9 =	sor.u32 $0xD0000000, s2;
	s6 =	simm.s32 $0x108;
	_ =	swait.ge @!p0 [sflag:s8], $0x0  }
0x24: {  	s3 =	sadd.s32 $0x88, s3;
	s6 =	simm.s32 @!p1 $0x1082;
	[sflag:s4] =	ssyncset.s32 $0xFFFFF086  }
0x25: {  	[simem:s6], [sflag:s4] =	dma.local [hbm:s3], $0xF7A  }
0x26: {  	[smem:$0x3F9B] =	sst s1;
	(tag) =	ssettag s2;
	_ =	strace s9  }
0x27: {  	s1 =	sld [smem:$0x3FAB]  }
0x28: {  	s2 =	sld [smem:$0x3FAC]  }
0x29: {  	s4 =	sld [smem:$0x3FAE]  }
0x2a: {  	p0 =	seq.s32 s5, $0x0;
	s5 =	sld [smem:$0x3FAF]  }
0x2b: {  	s6 =	sld [smem:$0x3FB0]  }
0x2c: {  	s7 =	sld [smem:$0x3FB1]  }
0x2d: {  	s3 =	simm.s32 $0x108;
	s8 =	sld [smem:$0x3FB2]  }
0x2e: {  	s3 =	simm.s32 @!p0 $0x1082;
	s9 =	sld [smem:$0x3FB3]  }
0x2f: {  	lr =	sadd.s32 s0, s3;
	s0 =	sld [smem:$0x3FAA]  }
0x30: {  	s3 =	sld [smem:$0x3FAD]  }
0x31: {  	[smem:$0x3FB6] =	sst s10  }
0x32: {  	s10 =	sld [smem:$0x3FB4];
	_ =	sdelay $0x3  }
0x33: {  	p0 =	seq.s32 s10, $0x1;
	s10 =	sld [smem:$0x3FB6];
	_ =	sdelay $0x3  }
0x34: {  	[smem:$0x3FB6] =	sst s10  }
0x35: {  	s10 =	sld [smem:$0x3FB5];
	_ =	sdelay $0x3  }
0x36: {  	p1 =	seq.s32 s10, $0x1;
	s10 =	sld [smem:$0x3FB6];
	_ =	sdelay $0x3  }
0x37: {  	[smem:$0x3FB6] =	sst s10  }
0x38: {  	s10 =	sld [smem:$0x3FB7]  }
0x39: {  	_ = 	snop;
	(pc) =	sbr.ind lr, $3  }
0x3a: {  	_ = 	snop  }
0x3b: {  	_ = 	snop  }
0x3c: {  	p2 =	seq.s32 s10, $0x1;
	s10 =	sld [smem:$0x3FB6]  }
0x3d: {  	_ =	shalt  }
0x3e: {  	_ =	shalt  }
0x3f: {  	_ =	shalt  }
0x40: {  	_ =	shalt  }
0x41: {  	_ =	shalt  }
0x42: {  	_ =	shalt  }
0x43: {  	_ =	shalt  }
0x44: {  	_ =	shalt  }
0x45: {  	_ =	shalt  }
0x46: {  	_ =	shalt  }
0x47: {  	_ =	shalt  }
0x48: {  	_ =	shalt  }
0x49: {  	_ =	shalt  }
0x4a: {  	_ =	shalt  }
0x4b: {  	_ =	shalt  }
0x4c: {  	_ =	shalt  }
0x4d: {  	_ =	shalt  }
0x4e: {  	_ =	shalt  }
0x4f: {  	_ =	shalt  }
0x50: {  	_ =	shalt  }
0x51: {  	_ =	shalt  }
0x52: {  	_ =	shalt  }
0x53: {  	_ =	shalt  }
0x54: {  	_ =	shalt  }
0x55: {  	_ =	shalt  }
0x56: {  	_ =	shalt  }
0x57: {  	_ =	shalt  }
0x58: {  	_ =	shalt  }
0x59: {  	_ =	shalt  }
0x5a: {  	_ =	shalt  }
0x5b: {  	_ =	shalt  }
0x5c: {  	_ =	shalt  }
0x5d: {  	_ =	shalt  }
0x5e: {  	_ =	shalt  }
0x5f: {  	_ =	shalt  }
0x60: {  	_ =	shalt  }
0x61: {  	_ =	shalt  }
0x62: {  	_ =	shalt  }
0x63: {  	_ =	shalt  }
0x64: {  	_ =	shalt  }
0x65: {  	_ =	shalt  }
0x66: {  	_ =	shalt  }
0x67: {  	_ =	shalt  }
0x68: {  	_ =	shalt  }
0x69: {  	_ =	shalt  }
0x6a: {  	_ =	shalt  }
0x6b: {  	_ =	shalt  }
0x6c: {  	_ =	shalt  }
0x6d: {  	_ =	shalt  }
0x6e: {  	_ =	shalt  }
0x6f: {  	_ =	shalt  }
0x70: {  	_ =	shalt  }
0x71: {  	_ =	shalt  }
0x72: {  	_ =	shalt  }
0x73: {  	_ =	shalt  }
0x74: {  	_ =	shalt  }
0x75: {  	_ =	shalt  }
0x76: {  	_ =	shalt  }
0x77: {  	_ =	shalt  }
0x78: {  	_ =	shalt  }
0x79: {  	_ =	shalt  }
0x7a: {  	_ =	shalt  }
0x7b: {  	_ =	shalt  }
0x7c: {  	_ =	shalt  }
0x7d: {  	_ =	shalt  }
0x7e: {  	_ =	shalt  }
0x7f: {  	_ =	shalt  }
0x80: {  	_ =	shalt  }
0x81: {  	_ =	shalt  }
0x82: {  	_ =	shalt  }
0x83: {  	_ =	shalt  }
0x84: {  	_ =	shalt  }
0x85: {  	_ =	shalt  }
0x86: {  	_ =	shalt  }
0x87: {  	_ =	shalt  }
.Lfunc_end0:
.L_simem_size_0:
called_computation_lowered:
.L_overlay_start_0:
0x88: {  	s2 =	sld [smem:$0x3FD9]  }
0x89: {  	s3 =	sld [smem:$0x3FFE];
	_ =	sdelay $0x1  }
0x8a: {  	s1 =	srdreg.scid  }
0x8b: {  	s0 =	sand.u32 $0x1, s1  }
0x8c: {  	s17 =	sshll.u32 s0, $0xA;
	s2 =	sadd.s32 s3, s2  }
0x8d: {  	s2 =	sadd.s32 s2, s17  }
0x8e: {  	[smem:$0x3FC2] =	sst s2  }
0x8f: {  	_ = 	snop  }
0x90: {  	s2 =	sld [smem:$0x3FC9]  }
0x91: {  	s18 =	sld [smem:$0x3FC8]  }
0x92: {  	s4 =	sld [smem:$0x3FD0];
	(tm) =	ssettm $0x1  }
0x93: {  	s5 =	sld [smem:$0x3FFB];
	_ =	sdelay $0x3  }
0x94: {  	_ =	strace s5  }
0x95: {  	s5 =	sld [smem:$0x3FFC];
	_ =	sdelay $0x3  }
0x96: {  	_ =	strace s5  }
0x97: {  	s5 =	sld [smem:$0x3FFD];
	_ =	sdelay $0x3  }
0x98: {  	_ =	strace s5  }
0x99: {  	_ =	strace $0x8FFFFFFF  }
0x9a: {  	s19 =	sld [smem:$0x3FDB];
	_ =	sdelay $0x1  }
0x9b: {  	s6 =	simm.s32 $_scs_section_size  }
0x9c: {  	s7 =	simm.s32 $_size__tile_overlayer_lowered;
	s8 =	simm.s32 $_tile_overlayer_lowered  }
0x9d: {  	s22 =	simm.s32 $0x1BFF;
	s21 =	sshll.u32 s8, $0x1;
	s5 =	sadd.s32 s6, s19  }
0x9e: {  	s9 =	simm.s32 $0x0;
	s20 =	sshll.u32 s7, $0x1;
	s7 =	sadd.s32 s21, s5  }
0x9f: {  	[timem:s9], [sflag:s22] =	dma.local [hbm:s7], s20  }
0xa0: {  	_ =	swait.ge [sflag:s22], s20  }
0xa1: {  	s6 =	ssub.s32 $0x0, s20;
	[sflag:s22] =	ssyncset.done $0x0  }
0xa2: {  	[sflag:s22] =	ssyncadd.s32 s6;
	_ =	sdelay $0x1  }
0xa3: {  	s23 =	simm.s32 $0x1B8B  }
0xa4: {  	_ =	swait.ge [sflag:s23], $0x1  }
0xa5: {  	[sflag:s23] =	ssyncset.done $0x0  }
0xa6: {  	s25 =	simm.s32 $0x1B8E;
	s24 =	sld [smem:$0x3FFE];
	[sflag:s23] =	ssyncadd.s32 $0xFFFFFFFF  }
0xa7: {  	s26 =	simm.s32 $execute0_lowered;
	[smem:$0x3FD2] =	sst s25  }
0xa8: {  	s7 =	sshll.u32 s26, $0x1;
	_ =	strace $0x80000046;
	[dreg:$0x1] =	wrdreg $0xFFFFFFFF  }
0xa9: {  	s28 =	simm.s32 $_size_execute0_lowered;
	s5 =	sadd.s32 s5, s7;
	[dreg:$0x0] =	wrdreg $0x0  }
0xaa: {  	s7 =	sshll.u32 s28, $0x1;
	[dreg:$0x2] =	wrdreg s5  }
0xab: {  	[dreg:$0x3] =	wrdreg s7  }
0xac: {  	[dreg:$0x4] =	wrdreg $0xC0  }
0xad: {  	_ =	task [dreg:s9], $0x5FFFF  }
0xae: {  	[dreg:$0x1] =	wrdreg $0xFFFFFFFF  }
0xaf: {  	[dreg:$0x0] =	wrdreg $0x60  }
0xb0: {  	[dreg:$0x2] =	wrdreg s2  }
0xb1: {  	[dreg:$0x3] =	wrdreg s18  }
0xb2: {  	[dreg:$0x4] =	wrdreg s4  }
0xb3: {  	[dreg:$0x5] =	wrdreg s24  }
0xb4: {  	[dreg:$0x6] =	wrdreg $0x0  }
0xb5: {  	[dreg:$0x7] =	wrdreg $0x9  }
0xb6: {  	_ =	task.clear_ibuf [dreg:s9], $0x8FFFF;
	_ =	strace $0x90000046  }
0xb7: {  	s29 =	simm.s32 $0x9;
	_ =	strace $0x80000048  }
0xb8: {  	_ =	swait.ge [sflag:s29], $0x1  }
0xb9: {  	[sflag:s29] =	ssyncadd.s32 $0xFFFFFFFF  }
0xba: {  	_ =	strace $0x90000048  }
0xbb: {  	_ =	sfence  }
0xbc: {  	s30 =	sld [smem:$0x0];
	_ =	sdelay $0x2  }
0xbd: {  	s31 =	sshll.u32 s1, $0xD;
	s1 =	sshrl.u32 s1, $0x2  }
0xbe: {  	s3 =	sand.u32 $0x4000, s31;
	s1 =	sadd.s32 s1, s30  }
0xbf: {  	s0 =	sor.u32 s3, s0;
	s1 =	sshll.u32 s1, $0x11  }
0xc0: {  	s0 =	sor.u32 s1, s0  }
0xc1: {  	s0 =	sadd.s32 $0x8F2B, s0  }
0xc2: {  	[sflag:s0] =	ssyncadd.remote.s32 $0x1  }
0xc3: {  	_ =	sfence.sel $0xFFFF  }
0xc4: {  	[dreg:$0x0] =	wrdreg $0xFFFFFFFF;
	(pc) =	sbr.abs _section_cstart, $3  }
0xc5: {  	[dreg:$0x1] =	wrdreg $0xFFFFFFFF  }
0xc6: {  	_ =	task.clear_ibuf [dreg:s9], $0x2FFFF;
	_ =	strace $0x9FFFFFFF  }
0xc7: {  	(tm) =	ssettm $0x7FFFFFFF  }
tec
execute0_lowered:
.L_overlay_start_1:
0x0: {  	(tag) =	ssettag $0x1  }
0x1: {  	s1 =	rddreg [dreg:$0x0]  }
0x2: {  	s2 =	rddreg [dreg:$0x1]  }
0x3: {  	s3 =	rddreg [dreg:$0x2]  }
0x4: {  	s0 =	rddreg [dreg:$0x3]  }
0x5: {  	s4 =	rddreg [dreg:$0x4];
	s5 =	srdreg.scid;
	s6 =	simm.s32 $0x0  }
0x6: {  	s26 =	stileid.u32;
	s20 =	simm.s32 $0x13B00;
	s21 =	simm.s32 $0x9  }
0x7: {  	s23 =	simm.s32 $0x50;
	s24 =	simm.s32 $0x8;
	s28 =	simm.s32 $0x0  }
0x8: {  	s7 =	sand.u32 $0x1, s5;
	[smem:$0x7FF] =	sst s6;
	s9 =	smul.u32 $0x4E000, s26  }
0x9: {  	s16 =	sadd.s32 $0x138000, s4;
	s31 =	smul.u32 $0x2700, s26;
	p0 =	sne.s32 s26, $0xF  }
0xa: {  	s8 =	smul.u32 $0x27100, s7;
	s29 =	ssub.s32 $0x2, s7;
	s7 =	sshll.u32 s7, $0x4  }
0xb: {  	_ =	strace $0x80000047;
	s9 =	sshrl.u32 s9, $0x2;
	s12 =	sor.u32 s26, s7  }
0xc: {  	s10 =	sshrl.u32 s29, $0x1;
	s0 =	sadd.s32 s8, s0;
	s8 =	smul.u32 $0x7D, s12  }
0xd: {  	s26 =	simm.s32 $0x7;
	s7 =	sadd.s32 s9, s4;
	s17 =	smul.u32 $0x9C4, s12  }
.Ltmp0:
0xe: {  	s19 =	ssub.s32 s29, s10;
	s9 =	sadd.s32 $0x2800, s7;
	(pc) =	sbr.rel .LBB2_1-.Ltmp0, $4  }
0xf: {  	s30 =	sadd.s32 $0x5000, s7;
	s11 =	sadd.s32 $0x7800, s7;
	s12 =	sadd.s32 $0xA000, s7  }
0x10: {  	s13 =	sadd.s32 $0xC800, s7;
	s14 =	sadd.s32 $0xF000, s7;
	s15 =	sadd.s32 $0x11800, s7  }
0x11: {  	s18 =	sadd.s32 $0x1000, s0;
	s19 =	smax.u32 s19, $0x1;
	[dreg:$0x6] =	wrdreg s9  }
0x12: {  	v0 =	vimm.f32 $0.0e+00;
	[dreg:$0x7] =	wrdreg s30;
	s17 =	sadd.s32 s3, s17;
	s25 =	sadd.s32 s31, s18  }
.LBB2_13:
0x13: {  	_ =	swait.ge [sflag:s24], $0x2800  }
0x14: {  	[sflag:s24] =	ssyncset.done $0x0  }
0x15: {  	[sflag:s24] =	ssyncadd.s32 $0xFFFFD800  }
0x16: {  	_ =	swait.ge [sflag:s26], $0x2800  }
0x17: {  	s0 =	stileid.u32;
	[sflag:s26] =	ssyncset.done $0x0  }
0x18: {  	s0 =	sshll.u32 s0, $0x6;
	[sflag:s26] =	ssyncadd.s32 $0xFFFFD800  }
0x19: {  	s5 =	sshrl.u32 s7, $0x3;
	s0 =	sor.u32 $0x1C09, s0;
	[bflag:$0x0] =	sbarrier.arrive $0xFFFF  }
0x1a: {  	[hbm:s25], [sflag:s0] =	dma.local [spmem:s5], $0x2700  }
0x1b: {  	_ =	swait.ge [sflag:s21], $0x2700  }
0x1c: {  	s9 =	sshrl.u32 @!p0 s16, $0x3;
	s28 =	sadd.s32 $0x1, s28;
	[sflag:s21] =	ssyncset.done $0x0  }
0x1d: {  	p1 =	sne.s32 s28, s19;
	s5 =	sadd.s32 @!p0 $0x27000, s18;
	[sflag:s21] =	ssyncadd.s32 $0xFFFFD900  }
0x1e: {  	[hbm:s5], [sflag:s0] =	dma.local @!p0 [spmem:s9], $0x100  }
.Ltmp1:
0x1f: {  	_ = 	snop;
	(pc) =	sbr.rel @!p1 .LBB2_14-.Ltmp1, $4  }
0x20: {  	s0 =	simm.s32 @!p0 $0x9  }
0x21: {  	_ =	swait.ge @!p0 [sflag:s0], $0x100  }
0x22: {  	[sflag:s0] =	ssyncset.done @!p0 $0x0  }
0x23: {  	[sflag:s0] =	ssyncadd.s32 @!p0 $0xFFFFFF00  }
.LBB2_1:
0x24: {  	s0 =	simm.s32 $0x0;
	s22 =	simm.s32 $0x200  }
.LBB2_2:
0x25: {  	p1 =	sne.s32 s22, $0x9E00;
	[tilespmem:s0+$0x13B70] =	vst v0  }
0x26: {  	[tilespmem:s0+$0x13B00] =	vst v0  }
0x27: {  	[tilespmem:s0+$0x13B10] =	vst v0  }
.Ltmp2:
0x28: {  	[tilespmem:s0+$0x13B20] =	vst v0;
	(pc) =	sbr.rel @p1 .LBB2_2-.Ltmp2, $4  }
0x29: {  	[tilespmem:s0+$0x13B30] =	vst v0  }
0x2a: {  	[tilespmem:s0+$0x13B40] =	vst v0  }
0x2b: {  	[tilespmem:s0+$0x13B50] =	vst v0  }
0x2c: {  	[tilespmem:s0+$0x13B60] =	vst v0;
	s0 =	sshra.s32 s22, $0x2;
	s22 =	sadd.s32 $0x200, s22  }
0x2d: {  	[tilespmem:s0+$0x13B70] =	vst v0  }
0x2e: {  	[tilespmem:s0+$0x13B00] =	vst v0  }
0x2f: {  	[tilespmem:s0+$0x13B10] =	vst v0  }
0x30: {  	[tilespmem:s0+$0x13B20] =	vst v0  }
0x31: {  	[tilespmem:s0+$0x13B30] =	vst v0  }
0x32: {  	[tilespmem:s0+$0x13B40] =	vst v0  }
0x33: {  	[tilespmem:s0+$0x13B50] =	vst v0  }
0x34: {  	[tilespmem:s0+$0x13B60] =	vst v0  }
0x35: {  	[spmem:s7] =	stream.linear.scatter [tilespmem:s20], [sflag:$0x9], $0x2800, $0x38;
	[tilespmem:$0x1DB00] =	vst v63  }
0x36: {  	_ =	swait.ge [sflag:s21], $0x2800  }
0x37: {  	[sflag:s21] =	ssyncset.done $0x0  }
0x38: {  	s29 =	rddreg [dreg:$0x6];
	[sflag:s21] =	ssyncadd.s32 $0xFFFFD800  }
0x39: {  	[spmem:s29] =	stream.linear.scatter [tilespmem:s20], [sflag:$0x9], $0x2800, $0x38;
	[tilespmem:$0x1DB00] =	vst v63  }
0x3a: {  	_ =	swait.ge [sflag:s21], $0x2800  }
0x3b: {  	[sflag:s21] =	ssyncset.done $0x0  }
0x3c: {  	s30 =	rddreg [dreg:$0x7];
	[sflag:s21] =	ssyncadd.s32 $0xFFFFD800  }
0x3d: {  	[spmem:s30] =	stream.linear.scatter [tilespmem:s20], [sflag:$0x9], $0x2800, $0x38;
	[tilespmem:$0x1DB00] =	vst v63  }
0x3e: {  	_ =	swait.ge [sflag:s21], $0x2800  }
0x3f: {  	[sflag:s21] =	ssyncset.done $0x0  }
0x40: {  	[sflag:s21] =	ssyncadd.s32 $0xFFFFD800  }
0x41: {  	[spmem:s11] =	stream.linear.scatter [tilespmem:s20], [sflag:$0x9], $0x2800, $0x38;
	[tilespmem:$0x1DB00] =	vst v63  }
0x42: {  	_ =	swait.ge [sflag:s21], $0x2800  }
0x43: {  	[sflag:s21] =	ssyncset.done $0x0  }
0x44: {  	[sflag:s21] =	ssyncadd.s32 $0xFFFFD800  }
0x45: {  	[spmem:s12] =	stream.linear.scatter [tilespmem:s20], [sflag:$0x9], $0x2800, $0x38;
	[tilespmem:$0x1DB00] =	vst v63  }
0x46: {  	_ =	swait.ge [sflag:s21], $0x2800  }
0x47: {  	[sflag:s21] =	ssyncset.done $0x0  }
0x48: {  	[sflag:s21] =	ssyncadd.s32 $0xFFFFD800  }
0x49: {  	[spmem:s13] =	stream.linear.scatter [tilespmem:s20], [sflag:$0x9], $0x2800, $0x38;
	[tilespmem:$0x1DB00] =	vst v63  }
0x4a: {  	_ =	swait.ge [sflag:s21], $0x2800  }
0x4b: {  	[sflag:s21] =	ssyncset.done $0x0  }
0x4c: {  	[sflag:s21] =	ssyncadd.s32 $0xFFFFD800  }
0x4d: {  	[spmem:s14] =	stream.linear.scatter [tilespmem:s20], [sflag:$0x9], $0x2800, $0x38;
	[tilespmem:$0x1DB00] =	vst v63  }
0x4e: {  	_ =	swait.ge [sflag:s21], $0x2800  }
0x4f: {  	[sflag:s21] =	ssyncset.done $0x0  }
0x50: {  	[sflag:s21] =	ssyncadd.s32 $0xFFFFD800  }
0x51: {  	[spmem:s15] =	stream.linear.scatter [tilespmem:s20], [sflag:$0x9], $0x2000, $0x38;
	[tilespmem:$0x1DB00] =	vst v63  }
0x52: {  	_ =	swait.ge [sflag:s21], $0x2000  }
0x53: {  	[sflag:s21] =	ssyncset.done $0x0  }
0x54: {  	s0 =	simm.s32 @!p0 $0x13B00;
	[sflag:s21] =	ssyncadd.s32 $0xFFFFE000  }
0x55: {  	[spmem:s16] =	stream.linear.scatter @!p0 [tilespmem:s0], [sflag:$0x9], $0x800, $0x38;
	[tilespmem:$0x1DB00] =	vst v63  }
0x56: {  	s0 =	simm.s32 @!p0 $0x9  }
.Ltmp3:
0x57: {  	_ =	swait.ge @!p0 [sflag:s0], $0x800;
	(pc) =	sbr.rel .LBB2_4-.Ltmp3, $4  }
0x58: {  	[sflag:s0] =	ssyncset.done @!p0 $0x0  }
0x59: {  	[sflag:s0] =	ssyncadd.s32 @!p0 $0xFFFFF800  }
0x5a: {  	s22 =	simm.s32 $0x0;
	s31 =	simm.s32 $0x13880;
	[bflag:$0x0] =	sbarrier.arrive $0xFFFF  }
0x5b: {  	[tilespmem:s31], [sflag:$0x5] =	stream.linear.gather [hbm4b:s17+s22], $0xA0, $0x38;
	[tilespmem:$0x1DB00] =	vst v63  }
.LBB2_12:
0x5c: {  	p1 =	slt.u32 s30, $0x7E  }
.Ltmp4:
0x5d: {  	_ = 	snop;
	(pc) =	sbr.rel @!p1 .LBB2_13-.Ltmp4, $2  }
0x5e: {  	_ =	sdelay $0x2  }
0x5f: {  	s22 =	smov.u32 s30  }
.LBB2_4:
0x60: {  	s0 =	sand.u32 $0x1, s22  }
0x61: {  	p1 =	seq.s32 s22, $0x0;
	s29 =	sxor.u32 $0x1, s0  }
0x62: {  	s30 =	sadd.s32 @!p1 $0x1, s29  }
0x63: {  	_ =	swait.ge @!p1 [sflag:s30], $0x2800  }
0x64: {  	[sflag:s30] =	ssyncset.done @!p1 $0x0  }
0x65: {  	[sflag:s30] =	ssyncadd.s32 @!p1 $0xFFFFD800;
	s30 =	sadd.s32 @!p1 $0x3, s29  }
0x66: {  	_ =	swait.ge @!p1 [sflag:s30], $0x2800  }
0x67: {  	s31 =	smul.u32 @!p1 $0xA0, s29;
	[sflag:s30] =	ssyncset.done @!p1 $0x0  }
0x68: {  	[sflag:s30] =	ssyncadd.s32 @!p1 $0xFFFFD800  }
0x69: {  	v1 =	vld @!p1 [tilespmem:s31+$0x138D0];
	_ =	sdelay $0x3  }
0x6a: {  	s30 =	sshll.u32 @!p1 s29, $0x7  }
0x6b: {  	[tilespmem:s30+$0x13A00] =	vst @!p1 v1  }
0x6c: {  	v1 =	vld @!p1 [tilespmem:s31+$0x138E0];
	_ =	sdelay $0x4  }
0x6d: {  	[tilespmem:s30+$0x13A10] =	vst @!p1 v1  }
0x6e: {  	v1 =	vld @!p1 [tilespmem:s31+$0x138F0];
	_ =	sdelay $0x2  }
0x6f: {  	s5 =	sadd.s32 @!p1 $0x80, s31  }
0x70: {  	s9 =	sand.u32 @!p1 $0x60, s31;
	s5 =	sand.u32 @!p1 $0x180, s5  }
0x71: {  	s5 =	sor.u32 @!p1 s9, s5;
	[tilespmem:s30+$0x13A20] =	vst @!p1 v1  }
0x72: {  	v1 =	vld @!p1 [tilespmem:s5+$0x13880];
	_ =	sdelay $0x4  }
0x73: {  	p2 =	slt.u32 @!p1 s22, $0x7C;
	[tilespmem:s30+$0x13A30] =	vst @!p1 v1  }
0x74: {  	p2 =	por p1, p2;
	v1 =	vld @!p1 [tilespmem:s31+$0x13910]  }
.Ltmp5:
0x75: {  	_ = 	snop;
	(pc) =	sbr.rel @!p2 .LBB2_5-.Ltmp5, $2  }
0x76: {  	_ =	sdelay $0x2  }
0x77: {  	[tilespmem:s30+$0x13A40] =	vst @!p1 v1  }
0x78: {  	s31 =	sadd.s32 @!p1 $0x1, s22  }
0x79: {  	s31 =	simm.s32 @p1 $0x1  }
0x7a: {  	s5 =	smul.u32 $0x280, s29;
	s9 =	sadd.s32 s8, s31  }
0x7b: {  	p2 =	slt.u32 s22, $0x2;
	s9 =	smul.u32 $0x14, s9  }
.Ltmp6:
0x7c: {  	_ = 	snop;
	(pc) =	sbr.rel @p2 .LBB2_8-.Ltmp6, $4  }
.Ltmp7:
0x7d: {  	s5 =	sshrl.u32 s5, $0x2;
	(pc) =	sbr.rel @!p2 .LBB2_7-.Ltmp7, $4  }
0x7e: {  	s30 =	sadd.s32 $0x5, s29;
	s5 =	sadd.s32 $0x13880, s5;
	s9 =	sadd.s32 s3, s9  }
0x7f: {  	[tilespmem:s5], [sflag:s30] =	stream.linear.gather [hbm4b:s9+s6], $0xA0, $0x38;
	[tilespmem:$0x1DB00] =	vst v63  }
0x80: {  	s30 =	smov.u32 s31  }
0x81: {  	_ = 	snop  }
.LBB2_5:
0x82: {  	p2 =	seq.s32 s22, $0x7D  }
.Ltmp8:
0x83: {  	_ = 	snop;
	(pc) =	sbr.rel @p2 .LBB2_9-.Ltmp8, $2  }
0x84: {  	_ =	sdelay $0x2  }
0x85: {  	s31 =	simm.s32 $0x7D;
	s30 =	simm.s32 $0x7E  }
.LBB2_7:
0x86: {  	s5 =	sadd.s32 $0x7, s0  }
0x87: {  	_ =	swait.ge [sflag:s5], $0x2800  }
0x88: {  	[sflag:s5] =	ssyncset.done $0x0  }
0x89: {  	s30 =	smov.u32 s31;
	[sflag:s5] =	ssyncadd.s32 $0xFFFFD800  }
.LBB2_8:
0x8a: {  	s9 =	smul.u32 $0x2800, s0  }
0x8b: {  	s5 =	sadd.s32 $0x5, s0;
	s31 =	smul.u32 $0x280, s0;
	s22 =	sadd.s32 s8, s22  }
0x8c: {  	s10 =	sadd.s32 $0x1, s0;
	_ =	swait.ge [sflag:s5], $0xA0;
	s22 =	smul.u32 $0x500, s22  }
.Ltmp9:
0x8d: {  	[sflag:s5] =	ssyncset.done $0x0;
	s31 =	sshrl.u32 s31, $0x2;
	(pc) =	sbr.rel @p1 .LBB2_12-.Ltmp9, $4  }
0x8e: {  	[sflag:s5] =	ssyncadd.s32 $0xFFFFFF60;
	s5 =	sadd.s32 $0x13B00, s9;
	s31 =	sadd.s32 $0x13880, s31  }
0x8f: {  	[tilespmem:s5], [sflag:s10] =	stream.indirect.gather [hbm4b:s1+s23], $0x80, s31, s23, $0xb8;
	[tilespmem:$0x1DB00] =	vst v63  }
0x90: {  	s9 =	sadd.s32 $0x18B00, s9;
	s10 =	sadd.s32 $0x3, s0;
	s31 =	sadd.s32 s2, s22  }
0x91: {  	[tilespmem:s9], [sflag:s10] =	stream.linear.gather [hbm4b:s31+s6], $0x2800, $0x38;
	[tilespmem:$0x1DB00] =	vst v63  }
.LBB2_9:
0x92: {  	s0 =	smul.u32 $0x2800, s29;
	_ =	sdelay $0x1  }
0x93: {  	s5 =	sadd.s32 $0x18B00, s0  }
0x94: {  	v2 =	vmov s5  }
0x95: {  	s0 =	sadd.s32 $0x13B00, s0  }
0x96: {  	v1 =	vmov s0;
	_ =	sdelay $0x1  }
0x97: {  	s31 =	simm.s32 $0xF0  }
0x98: {  	v3 =	vld.idx.msk [tilespmem:v2+s31+$0xFFFFFFD0 ss:$0x1], $0xffff  }
0x99: {  	v6 =	vld.idx.msk [tilespmem:v2+s31+$0xFFFFFFA0 ss:$0x1], $0xffff  }
0x9a: {  	v7 =	vld.idx.msk [tilespmem:v1+s31+$0xFFFFFFA0 ss:$0x1], $0xffff  }
0x9b: {  	v4 =	vld.idx.msk [tilespmem:v2+s31+$0x0 ss:$0x1], $0xffff  }
0x9c: {  	v5 =	vld.idx.msk [tilespmem:v1+s31+$0x0 ss:$0x1], $0xffff  }
0x9d: {  	v8 =	vld.idx.msk [tilespmem:v2+s31+$0xFFFFFFF0 ss:$0x1], $0xffff  }
0x9e: {  	v9 =	vld.idx.msk [tilespmem:v1+s31+$0xFFFFFFF0 ss:$0x1], $0xffff  }
0x9f: {  	v10 =	vld.idx.msk [tilespmem:v1+s31+$0xFFFFFFE0 ss:$0x1], $0xffff  }
0xa0: {  	v14 =	vld.idx.msk [tilespmem:v1+s31+$0xFFFFFFC0 ss:$0x1], $0xffff  }
0xa1: {  	v11 =	vld.idx.msk [tilespmem:v2+s31+$0xFFFFFFE0 ss:$0x1], $0xffff  }
0xa2: {  	v16 =	vld.idx.msk [tilespmem:v1+s31+$0xFFFFFFB0 ss:$0x1], $0xffff  }
0xa3: {  	v15 =	vld.idx.msk [tilespmem:v2+s31+$0xFFFFFFC0 ss:$0x1], $0xffff  }
0xa4: {  	v18 =	vld.idx.msk [tilespmem:v2+s31+$0xFFFFFFB0 ss:$0x1], $0xffff  }
0xa5: {  	v17 =	vld.idx.msk [tilespmem:v1+s31+$0xFFFFFF50 ss:$0x1], $0xffff  }
0xa6: {  	v12 =	vld.idx.msk [tilespmem:v1+s31+$0xFFFFFF60 ss:$0x1], $0xffff  }
0xa7: {  	v13 =	vld.idx.msk [tilespmem:v2+s31+$0xFFFFFF60 ss:$0x1], $0xffff  }
0xa8: {  	v19 =	vld.idx.msk [tilespmem:v2+s31+$0xFFFFFF50 ss:$0x1], $0xffff  }
0xa9: {  	v20 =	vld.idx.msk [tilespmem:v2+s31+$0xFFFFFF40 ss:$0x1], $0xffff  }
0xaa: {  	v21 =	vld.idx.msk [tilespmem:v1+s31+$0xFFFFFF30 ss:$0x1], $0xffff  }
0xab: {  	v23 =	vld.idx.msk [tilespmem:v2+s31+$0xFFFFFF30 ss:$0x1], $0xffff  }
0xac: {  	s0 =	simm.s32 $0x7C0;
	v22 =	vld.idx.msk [tilespmem:v2+s31+$0xFFFFFF20 ss:$0x1], $0xffff  }
.LBB2_10:
0xad: {  	p1 =	sne.s32 s0, $0x9FC0;
	v24 =	vld.idx.msk [tilespmem:v1+s31+$0xFFFFFF20 ss:$0x1], $0xffff;
	s22 =	smov.u32 s0;
	s0 =	sadd.s32 $0x400, s0  }
0xae: {  	v16 =	vadd.f32 v18, v16;
	v25 =	vld.idx.msk [tilespmem:v1+s31+$0xFFFFFF10 ss:$0x1], $0xffff  }
0xaf: {  	v14 =	vadd.f32 v15, v14;
	v18 =	vld.idx.msk [tilespmem:v2+s31+$0xFFFFFF10 ss:$0x1], $0xffff  }
0xb0: {  	v15 =	vld.idx.msk [tilespmem:v1+s31+$0xFFFFFF40 ss:$0x1], $0xffff  }
0xb1: {  	v10 =	vadd.f32 v11, v10;
	v21 =	vadd.f32 v23, v21;
	v26 =	vld.idx.msk [tilespmem:v1+s31+$0xFFFFFFD0 ss:$0x1], $0xffff  }
0xb2: {  	v8 =	vadd.f32 v8, v9;
	v11 =	vld.idx.msk [tilespmem:v2+s31+$0xFFFFFF70 ss:$0x1], $0xffff  }
0xb3: {  	v4 =	vadd.f32 v4, v5;
	v22 =	vadd.f32 v22, v24;
	v9 =	vld.idx.msk [tilespmem:v2+s31+$0xFFFFFF80 ss:$0x1], $0xffff  }
0xb4: {  	v6 =	vadd.f32 v6, v7;
	v5 =	vld.idx.msk [tilespmem:v1+s31+$0xFFFFFF80 ss:$0x1], $0xffff  }
0xb5: {  	v18 =	vadd.f32 v18, v25;
	v22 =	vmax.f32 v22, $0.0e+00;
	v7 =	vld.idx.msk [tilespmem:v1+s31+$0xFFFFFF70 ss:$0x1], $0xffff  }
0xb6: {  	v17 =	vadd.f32 v19, v17;
	v6 =	vmax.f32 v6, $0.0e+00;
	v15 =	vadd.f32 v20, v15;
	v23 =	vld.idx.msk [tilespmem:v2+s31+$0xFFFFFF90 ss:$0x1], $0xffff  }
0xb7: {  	v16 =	vmax.f32 v16, $0.0e+00;
	v18 =	vmax.f32 v18, $0.0e+00;
	v3 =	vadd.f32 v3, v26;
	v19 =	vld.idx.msk [tilespmem:v1+s31+$0xFFFFFF90 ss:$0x1], $0xffff  }
0xb8: {  	v17 =	vmax.f32 v17, $0.0e+00;
	v14 =	vmax.f32 v14, $0.0e+00;
	v15 =	vmax.f32 v15, $0.0e+00;
	[tilespmem:v1+s31+$0xFFFFFF10 ss:$0x1] =	vst.idx.msk $0xffff, v18  }
0xb9: {  	v18 =	vmax.f32 v21, $0.0e+00;
	v3 =	vmax.f32 v3, $0.0e+00;
	[tilespmem:v1+s31+$0xFFFFFF20 ss:$0x1] =	vst.idx.msk $0xffff, v22  }
0xba: {  	v12 =	vadd.f32 v13, v12;
	v5 =	vadd.f32 v9, v5;
	v9 =	vmax.f32 v10, $0.0e+00;
	[tilespmem:v1+s31+$0xFFFFFF30 ss:$0x1] =	vst.idx.msk $0xffff, v18  }
0xbb: {  	v8 =	vmax.f32 v8, $0.0e+00;
	v7 =	vadd.f32 v11, v7;
	[tilespmem:v1+s31+$0xFFFFFF40 ss:$0x1] =	vst.idx.msk $0xffff, v15  }
0xbc: {  	v4 =	vmax.f32 v4, $0.0e+00;
	v10 =	vmax.f32 v12, $0.0e+00;
	v5 =	vmax.f32 v5, $0.0e+00;
	[tilespmem:v1+s31+$0xFFFFFF50 ss:$0x1] =	vst.idx.msk $0xffff, v17  }
0xbd: {  	v7 =	vmax.f32 v7, $0.0e+00;
	[tilespmem:v1+s31+$0xFFFFFF60 ss:$0x1] =	vst.idx.msk $0xffff, v10;
	v10 =	vadd.f32 v23, v19  }
0xbe: {  	[tilespmem:v1+s31+$0xFFFFFF70 ss:$0x1] =	vst.idx.msk $0xffff, v7  }
0xbf: {  	[tilespmem:v1+s31+$0xFFFFFF80 ss:$0x1] =	vst.idx.msk $0xffff, v5;
	v5 =	vmax.f32 v10, $0.0e+00  }
0xc0: {  	[tilespmem:v1+s31+$0xFFFFFF90 ss:$0x1] =	vst.idx.msk $0xffff, v5  }
0xc1: {  	[tilespmem:v1+s31+$0xFFFFFFA0 ss:$0x1] =	vst.idx.msk $0xffff, v6  }
0xc2: {  	[tilespmem:v1+s31+$0xFFFFFFB0 ss:$0x1] =	vst.idx.msk $0xffff, v16  }
0xc3: {  	[tilespmem:v1+s31+$0xFFFFFFC0 ss:$0x1] =	vst.idx.msk $0xffff, v14  }
0xc4: {  	s5 =	sshra.s32 s22, $0x2;
	[tilespmem:v1+s31+$0xFFFFFFD0 ss:$0x1] =	vst.idx.msk $0xffff, v3  }
0xc5: {  	[tilespmem:v1+s31+$0xFFFFFFE0 ss:$0x1] =	vst.idx.msk $0xffff, v9  }
0xc6: {  	[tilespmem:v1+s31+$0xFFFFFFF0 ss:$0x1] =	vst.idx.msk $0xffff, v8  }
0xc7: {  	[tilespmem:v1+s31+$0x0 ss:$0x1] =	vst.idx.msk $0xffff, v4;
	s31 =	smov.u32 s5  }
0xc8: {  	v3 =	vld.idx.msk [tilespmem:v2+s31+$0xFFFFFFD0 ss:$0x1], $0xffff  }
0xc9: {  	v6 =	vld.idx.msk [tilespmem:v2+s31+$0xFFFFFFA0 ss:$0x1], $0xffff  }
0xca: {  	v7 =	vld.idx.msk [tilespmem:v1+s31+$0xFFFFFFA0 ss:$0x1], $0xffff  }
0xcb: {  	v4 =	vld.idx.msk [tilespmem:v2+s31+$0x0 ss:$0x1], $0xffff  }
0xcc: {  	v5 =	vld.idx.msk [tilespmem:v1+s31+$0x0 ss:$0x1], $0xffff  }
0xcd: {  	v8 =	vld.idx.msk [tilespmem:v2+s31+$0xFFFFFFF0 ss:$0x1], $0xffff  }
0xce: {  	v9 =	vld.idx.msk [tilespmem:v1+s31+$0xFFFFFFF0 ss:$0x1], $0xffff  }
0xcf: {  	v10 =	vld.idx.msk [tilespmem:v1+s31+$0xFFFFFFE0 ss:$0x1], $0xffff  }
0xd0: {  	v14 =	vld.idx.msk [tilespmem:v1+s31+$0xFFFFFFC0 ss:$0x1], $0xffff  }
0xd1: {  	v11 =	vld.idx.msk [tilespmem:v2+s31+$0xFFFFFFE0 ss:$0x1], $0xffff  }
0xd2: {  	v16 =	vld.idx.msk [tilespmem:v1+s31+$0xFFFFFFB0 ss:$0x1], $0xffff  }
0xd3: {  	v15 =	vld.idx.msk [tilespmem:v2+s31+$0xFFFFFFC0 ss:$0x1], $0xffff  }
0xd4: {  	v18 =	vld.idx.msk [tilespmem:v2+s31+$0xFFFFFFB0 ss:$0x1], $0xffff  }
0xd5: {  	v17 =	vld.idx.msk [tilespmem:v1+s31+$0xFFFFFF50 ss:$0x1], $0xffff  }
0xd6: {  	v12 =	vld.idx.msk [tilespmem:v1+s31+$0xFFFFFF60 ss:$0x1], $0xffff  }
0xd7: {  	v13 =	vld.idx.msk [tilespmem:v2+s31+$0xFFFFFF60 ss:$0x1], $0xffff  }
.Ltmp10:
0xd8: {  	v19 =	vld.idx.msk [tilespmem:v2+s31+$0xFFFFFF50 ss:$0x1], $0xffff;
	(pc) =	sbr.rel @p1 .LBB2_10-.Ltmp10, $4  }
0xd9: {  	v20 =	vld.idx.msk [tilespmem:v2+s31+$0xFFFFFF40 ss:$0x1], $0xffff  }
0xda: {  	v21 =	vld.idx.msk [tilespmem:v1+s31+$0xFFFFFF30 ss:$0x1], $0xffff  }
0xdb: {  	v23 =	vld.idx.msk [tilespmem:v2+s31+$0xFFFFFF30 ss:$0x1], $0xffff  }
0xdc: {  	v22 =	vld.idx.msk [tilespmem:v2+s31+$0xFFFFFF20 ss:$0x1], $0xffff  }
0xdd: {  	_ =	sdelay $0x3  }
0xde: {  	v24 =	vld.idx.msk [tilespmem:v1+s31+$0xFFFFFF20 ss:$0x1], $0xffff  }
0xdf: {  	v25 =	vld.idx.msk [tilespmem:v1+s31+$0xFFFFFF10 ss:$0x1], $0xffff  }
0xe0: {  	v26 =	vld.idx.msk [tilespmem:v2+s31+$0xFFFFFF10 ss:$0x1], $0xffff  }
0xe1: {  	v27 =	vld.idx.msk [tilespmem:v1+s31+$0xFFFFFF40 ss:$0x1], $0xffff  }
0xe2: {  	v28 =	vld.idx.msk [tilespmem:v1+s31+$0xFFFFFFD0 ss:$0x1], $0xffff  }
0xe3: {  	v29 =	vld.idx.msk [tilespmem:v2+s31+$0xFFFFFF70 ss:$0x1], $0xffff  }
0xe4: {  	v30 =	vld.idx.msk [tilespmem:v2+s31+$0xFFFFFF80 ss:$0x1], $0xffff  }
0xe5: {  	v31 =	vld.idx.msk [tilespmem:v1+s31+$0xFFFFFF80 ss:$0x1], $0xffff;
	v25 =	vadd.f32 v26, v25  }
0xe6: {  	v51 =	vld.idx.msk [tilespmem:v1+s31+$0xFFFFFF70 ss:$0x1], $0xffff;
	v22 =	vadd.f32 v22, v24  }
0xe7: {  	v2 =	vld.idx.msk [tilespmem:v2+s31+$0xFFFFFF90 ss:$0x1], $0xffff;
	v21 =	vadd.f32 v23, v21;
	v53 =	vmax.f32 v25, $0.0e+00  }
0xe8: {  	v52 =	vld.idx.msk [tilespmem:v1+s31+$0xFFFFFF90 ss:$0x1], $0xffff;
	v20 =	vadd.f32 v20, v27;
	v22 =	vmax.f32 v22, $0.0e+00;
	[tilespmem:v1+s31+$0xFFFFFF10 ss:$0x1] =	vst.idx.msk $0xffff, v53  }
0xe9: {  	v17 =	vadd.f32 v19, v17;
	v54 =	vmax.f32 v21, $0.0e+00;
	[tilespmem:v1+s31+$0xFFFFFF20 ss:$0x1] =	vst.idx.msk $0xffff, v22  }
0xea: {  	v12 =	vadd.f32 v13, v12;
	v20 =	vmax.f32 v20, $0.0e+00;
	[tilespmem:v1+s31+$0xFFFFFF30 ss:$0x1] =	vst.idx.msk $0xffff, v54  }
0xeb: {  	v55 =	vmax.f32 v17, $0.0e+00;
	v56 =	vadd.f32 v29, v51;
	[tilespmem:v1+s31+$0xFFFFFF40 ss:$0x1] =	vst.idx.msk $0xffff, v20  }
0xec: {  	v12 =	vmax.f32 v12, $0.0e+00;
	v57 =	vadd.f32 v30, v31;
	[tilespmem:v1+s31+$0xFFFFFF50 ss:$0x1] =	vst.idx.msk $0xffff, v55  }
0xed: {  	v2 =	vadd.f32 v2, v52;
	v58 =	vmax.f32 v56, $0.0e+00;
	[tilespmem:v1+s31+$0xFFFFFF60 ss:$0x1] =	vst.idx.msk $0xffff, v12  }
0xee: {  	v6 =	vadd.f32 v6, v7;
	v59 =	vmax.f32 v57, $0.0e+00;
	[tilespmem:v1+s31+$0xFFFFFF70 ss:$0x1] =	vst.idx.msk $0xffff, v58  }
0xef: {  	v60 =	vadd.f32 v18, v16;
	v2 =	vmax.f32 v2, $0.0e+00;
	[tilespmem:v1+s31+$0xFFFFFF80 ss:$0x1] =	vst.idx.msk $0xffff, v59  }
0xf0: {  	v61 =	vadd.f32 v15, v14;
	v6 =	vmax.f32 v6, $0.0e+00;
	[tilespmem:v1+s31+$0xFFFFFF90 ss:$0x1] =	vst.idx.msk $0xffff, v2  }
0xf1: {  	v3 =	vadd.f32 v3, v28;
	v2 =	vmax.f32 v60, $0.0e+00;
	[tilespmem:v1+s31+$0xFFFFFFA0 ss:$0x1] =	vst.idx.msk $0xffff, v6  }
0xf2: {  	v62 =	vadd.f32 v11, v10;
	v7 =	vmax.f32 v61, $0.0e+00;
	[tilespmem:v1+s31+$0xFFFFFFB0 ss:$0x1] =	vst.idx.msk $0xffff, v2  }
0xf3: {  	s0 =	smul.u32 $0xA000, s29;
	v3 =	vmax.f32 v3, $0.0e+00;
	v2 =	vadd.f32 v8, v9;
	[tilespmem:v1+s31+$0xFFFFFFC0 ss:$0x1] =	vst.idx.msk $0xffff, v7  }
.Ltmp11:
0xf4: {  	v4 =	vadd.f32 v4, v5;
	v63 =	vmax.f32 v62, $0.0e+00;
	[tilespmem:v1+s31+$0xFFFFFFD0 ss:$0x1] =	vst.idx.msk $0xffff, v3;
	(pc) =	sbr.rel .LBB2_12-.Ltmp11, $4  }
0xf5: {  	v2 =	vmax.f32 v2, $0.0e+00;
	[tilespmem:v1+s31+$0xFFFFFFE0 ss:$0x1] =	vst.idx.msk $0xffff, v63  }
0xf6: {  	s5 =	sshll.u32 s29, $0x7;
	s0 =	sshrl.u32 s0, $0x2;
	v3 =	vmax.f32 v4, $0.0e+00;
	[tilespmem:v1+s31+$0xFFFFFFF0 ss:$0x1] =	vst.idx.msk $0xffff, v2  }
0xf7: {  	s9 =	sadd.s32 $0x7, s29;
	s5 =	sor.u32 $0x13A00, s5;
	s0 =	sadd.s32 $0x13B00, s0;
	[tilespmem:v1+s31+$0x0 ss:$0x1] =	vst.idx.msk $0xffff, v3  }
0xf8: {  	[spmem:s4] =	stream.indirect.scatter.add.f32 [tilespmem:s0], [sflag:s9], $0x80, s5, s23, $0xb8;
	[tilespmem:$0x1DB00] =	vst v63  }
.LBB2_14:
0xf9: {  	_ =	sfence.sel $0x180000  }
0xfa: {  	[bflag:$0x0] =	sbarrier.arrive $0xFFFF  }
0xfb: {  	_ =	strace $0x90000047  }
0xfc: {  	s0 =	stileid.u32;
	[bflag:$0x2] =	sbarrier.arrive $0xFFFF  }
0xfd: {  	p0 =	sne.s32 s0, $0x0;
	s0 =	rddreg [dreg:$0x5]  }
0xfe: {  	s0 =	sadd.s32 @!p0 $0x100000, s0  }
0xff: {  	[sflag:s0] =	ssyncadd.tile.s32 @!p0 $0x1;
	_ =	shalt  }
.Lfunc_end2:
_tile_overlayer_lowered:
.L_overlay_start_2:
0x100: {  	(tag) =	ssettag $0x2  }
0x101: {  	s0 =	rddreg [dreg:$0x0];
	s2 =	stileid.u32  }
0x102: {  	s1 =	rddreg [dreg:$0x1];
	p0 =	sne.s32 s2, $0x0  }
0x103: {  	s3 =	rddreg [dreg:$0x2];
	[bflag:$0x3] =	sbarrier.arrive $0xFFFF;
	s2 =	simm.s32 @!p0 $0x1C09  }
0x104: {  	[timem:s3], [sflag:s2] =	dma.local @!p0 [hbm:s0], s1  }
0x105: {  	s0 =	simm.s32 @!p0 $0x9  }
0x106: {  	_ =	swait.ge @!p0 [sflag:s0], s1  }
0x107: {  	s1 =	ssub.s32 @!p0 $0x0, s1;
	[sflag:s0] =	ssyncset.done @!p0 $0x0  }
0x108: {  	[sflag:s0] =	ssyncadd.s32 @!p0 s1  }
0x109: {  	[bflag:$0x3] =	sbarrier.arrive $0xFFFF  }
0x10a: {  	_ =	shalt  }

</sc_bundles>
